<compile_context>
chip_gen: v7x
topology: tpu7x:2x2x1
jax: 0.10.2.dev20260603
libtpu: 0.0.44.dev20260713+nightly
codegen_flags: <defaults>
</compile_context>

<pallas_src>
import functools

import jax
import jax.numpy as jnp
from jax import lax
from jax.experimental import pallas as pl
from jax.experimental.pallas import tpu as pltpu
from jax.experimental.pallas import tpu_sc as plsc

_G = 512
_N = 100000
_D = 128
_BLK = 128
_NB_FULL = _N // _BLK
_TAIL = _N - _NB_FULL * _BLK
_NW = 32
_CW = 128
_RPT = _G // 16

_SLOTS = 24
_LAST_WID = _NB_FULL - _SLOTS * _NW
_NBUF = 4


def _segment_sums(feat, ids, zrows, ones_rows):
    mesh = plsc.VectorSubcoreMesh(core_axis_name="c", subcore_axis_name="s")

    @functools.partial(
        pl.kernel,
        out_type=[
            jax.ShapeDtypeStruct((2 * _G, _D), jnp.float32),
            jax.ShapeDtypeStruct((2 * _G, _CW), jnp.float32),
        ],
        mesh=mesh,
        scratch_types=[
            [pltpu.VMEM((_BLK, _D), jnp.float32) for _ in range(_NBUF)],
            [pltpu.VMEM((_BLK,), jnp.int32) for _ in range(_NBUF)],
            pltpu.VMEM((_TAIL, _D), jnp.float32),
            pltpu.VMEM((_TAIL,), jnp.int32),
            pltpu.VMEM((_BLK, _CW), jnp.float32),
            pltpu.VMEM((_RPT, _D), jnp.float32),
            pltpu.VMEM_SHARED((_G, _D), jnp.float32),
            pltpu.VMEM_SHARED((_G, _CW), jnp.float32),
            [pltpu.SemaphoreType.DMA for _ in range(_NBUF)],
            [pltpu.SemaphoreType.DMA for _ in range(_NBUF)],
        ],
    )
    def k(feat_h, ids_h, zrows_h, ones_h, sums_o, cnts_o,
          fb, ib, feat_t, ids_t, ones_v, zf_v, acc, cnt, gs, ss):
        c = lax.axis_index("c")
        s = lax.axis_index("s")
        wid = c * 16 + s

        def issue_gather(jj, b):
            off = (jj * _NW + wid) * _BLK
            pltpu.async_copy(ids_h.at[pl.ds(off, _BLK)], ib[b], gs[b])
            pltpu.async_copy(feat_h.at[pl.ds(off, _BLK)], fb[b], gs[b])

        def wait_gather(b):
            pltpu.make_async_copy(ids_h.at[pl.ds(0, _BLK)], ib[b], gs[b]).wait()
            pltpu.make_async_copy(feat_h.at[pl.ds(0, _BLK)], fb[b], gs[b]).wait()

        def issue_scatter(b):
            pltpu.async_copy(fb[b], acc.at[ib[b]], ss[b], add=True)
            pltpu.async_copy(ones_v, cnt.at[ib[b]], ss[b], add=True)

        def wait_scatter(b):
            pltpu.make_async_copy(fb[b], acc.at[ib[b]], ss[b]).wait()
            pltpu.make_async_copy(ones_v, cnt.at[ib[b]], ss[b]).wait()

        issue_gather(0, 0)
        issue_gather(1, 1)
        issue_gather(2, 2)

        pltpu.sync_copy(zrows_h, zf_v)
        pltpu.sync_copy(ones_h, ones_v)
        rb = s * _RPT
        pltpu.sync_copy(zf_v, acc.at[pl.ds(rb, _RPT)])
        pltpu.sync_copy(zf_v, cnt.at[pl.ds(rb, _RPT)])
        plsc.subcore_barrier()

        def chunk(i, carry):
            jj0 = i * _NBUF
            for pos in range(_NBUF):
                jj = jj0 + pos
                wait_gather(pos)
                issue_scatter(pos)
                bn = (pos + 3) % _NBUF

                @pl.when(jj >= 1)
                def _():
                    wait_scatter(bn)

                nxt = jj + 3

                @pl.when(nxt < _SLOTS)
                def _():
                    issue_gather(nxt, bn)

                @pl.when((nxt == _SLOTS) & (wid < _LAST_WID))
                def _():
                    issue_gather(_SLOTS, bn)
            return carry

        lax.fori_loop(0, _SLOTS // _NBUF, chunk, 0)

        @pl.when(wid < _LAST_WID)
        def _():
            wait_gather(_SLOTS % _NBUF)
            issue_scatter(_SLOTS % _NBUF)

        @pl.when(wid == _NW - 1)
        def _():
            off = _NB_FULL * _BLK
            pltpu.sync_copy(ids_h.at[pl.ds(off, _TAIL)], ids_t)
            pltpu.sync_copy(feat_h.at[pl.ds(off, _TAIL)], feat_t)
            pltpu.sync_copy(feat_t, acc.at[ids_t], add=True)
            pltpu.sync_copy(ones_v.at[pl.ds(0, _TAIL)], cnt.at[ids_t], add=True)

        wait_scatter((_SLOTS - 1) % _NBUF)

        @pl.when(wid < _LAST_WID)
        def _():
            wait_scatter(_SLOTS % _NBUF)

        plsc.subcore_barrier()

        pltpu.sync_copy(acc.at[pl.ds(rb, _RPT)], zf_v)
        pltpu.sync_copy(zf_v, sums_o.at[pl.ds(c * _G + rb, _RPT)])
        pltpu.sync_copy(cnt.at[pl.ds(rb, _RPT)], zf_v)
        pltpu.sync_copy(zf_v, cnts_o.at[pl.ds(c * _G + rb, _RPT)])

    return k(feat, ids, zrows, ones_rows)


def _head(s0, s1, c0, c1, ga, w1a, w1b, b1, gamma, beta, w2t, b2):

    def body(s0_r, s1_r, c0_r, c1_r, ga_r, w1a_r, w1b_r, b1_r, g_r, be_r,
             w2_r, b2_r, o_r):
        ssum = s0_r[...] + s1_r[...]
        cnt = c0_r[...][:, 0:1] + c1_r[...][:, 0:1]
        mean = ssum / jnp.maximum(cnt, 1.0)
        h = (jnp.dot(mean, w1a_r[...], preferred_element_type=jnp.float32)
             + jnp.dot(ga_r[...], w1b_r[...], preferred_element_type=jnp.float32)
             + b1_r[...])
        mu = jnp.mean(h, axis=-1, keepdims=True)
        var = jnp.mean((h - mu) * (h - mu), axis=-1, keepdims=True)
        hn = (h - mu) * lax.rsqrt(var + 1e-5) * g_r[...] + be_r[...]
        r = jnp.maximum(hn, 0.0)
        o_r[...] = jnp.sum(r * w2_r[...], axis=-1, keepdims=True) + b2_r[...]

    return pl.pallas_call(
        body,
        out_shape=jax.ShapeDtypeStruct((_G, 1), jnp.float32),
    )(s0, s1, c0, c1, ga, w1a, w1b, b1, gamma, beta, w2t, b2)


def kernel(node_features, batch, graph_attr, W1, b1, gamma, beta, W2, b2):
    ids = batch.astype(jnp.int32)
    zrows = jnp.zeros((_RPT, _D), jnp.float32)
    ones_rows = jnp.ones((_BLK, _CW), jnp.float32)
    sums, cnts = _segment_sums(node_features, ids, zrows, ones_rows)
    return _head(
        sums[:_G], sums[_G:], cnts[:_G], cnts[_G:], graph_attr,
        W1[:_D], W1[_D:], b1.reshape(1, -1), gamma.reshape(1, -1),
        beta.reshape(1, -1), W2.reshape(1, -1), b2.reshape(1, 1),
    )

# --- scband reference (transcript-rebuilt; emitter-appended) ---
"""Pipeline reference for scband-graph-prediction-head-44659069943889 (READ-ONLY COPY).

The authoritative reference and input builder live on the scoring server;
editing this copy changes nothing except your own understanding.
"""

import jax, jax.numpy as jnp
import numpy as np

NUM_GRAPHS = 512
N_NODES = 100000
D_FEAT = 128
G_ATTR = 16
NODE_DIM = 64
NUM_TARGETS = 1


def setup_inputs(seed: int = 0) -> dict:
    key = jax.random.key(seed)
    ks = jax.random.split(key, 8)
    node_features = jax.random.normal(ks[0], (N_NODES, D_FEAT), dtype=jnp.float32)
    batch = jnp.sort(jax.random.randint(ks[1], (N_NODES,), 0, NUM_GRAPHS)).astype(jnp.int64)
    graph_attr = jax.random.normal(ks[2], (NUM_GRAPHS, G_ATTR), dtype=jnp.float32)
    lin1_in = D_FEAT + G_ATTR
    W1 = jax.random.normal(ks[3], (lin1_in, NODE_DIM), dtype=jnp.float32) * (1.0 / np.sqrt(lin1_in))
    b1 = jnp.zeros((NODE_DIM,), jnp.float32)
    gamma = jnp.ones((NODE_DIM,), jnp.float32)
    beta = jnp.zeros((NODE_DIM,), jnp.float32)
    W2 = jax.random.normal(ks[4], (NODE_DIM, NUM_TARGETS), dtype=jnp.float32) * (1.0 / np.sqrt(NODE_DIM))
    b2 = jnp.zeros((NUM_TARGETS,), jnp.float32)
    return {
        'node_features': node_features,
        'batch': batch,
        'graph_attr': graph_attr,
        'W1': W1, 'b1': b1,
        'gamma': gamma, 'beta': beta,
        'W2': W2, 'b2': b2,
    }


def reference(node_features, batch, graph_attr, W1, b1, gamma, beta, W2, b2):
    # global_mean_pool: scatter-sum node features by graph id, divide by counts
    sums = jax.ops.segment_sum(node_features, batch, num_segments=NUM_GRAPHS)
    counts = jax.ops.segment_sum(jnp.ones((node_features.shape[0],), node_features.dtype), batch, num_segments=NUM_GRAPHS)
    graph_feat = sums / jnp.maximum(counts, 1.0)[:, None]
    # concat graph-level attributes
    combined = jnp.concatenate([graph_feat, graph_attr], axis=1)
    # lin1 -> LayerNorm -> ReLU -> lin2
    h = combined @ W1 + b1
    mu = jnp.mean(h, axis=-1, keepdims=True)
    var = jnp.var(h, axis=-1, keepdims=True)
    hn = (h - mu) / jnp.sqrt(var + 1e-5) * gamma + beta
    out = jax.nn.relu(hn) @ W2 + b2
    return out

if __name__ == "__main__":
    import jax
    _d = setup_inputs()
    print(jax.jit(kernel)(*tuple(_d.values())))

</pallas_src>

<mosaic_0001>
#map = affine_map<(d0, d1) -> (0, 0)>
#map1 = affine_map<(d0, d1) -> (0)>
module attributes {stable_mosaic.version = 14 : i64} {
  func.func @k(%arg0: i32, %arg1: i32, %arg2: memref<100000x128xf32, #tpu.memory_space<hbm>>, %arg3: memref<100000xi32, #tpu.memory_space<hbm>>, %arg4: memref<32x128xf32, #tpu.memory_space<hbm>>, %arg5: memref<128x128xf32, #tpu.memory_space<hbm>>, %arg6: memref<1024x128xf32, #tpu.memory_space<hbm>>, %arg7: memref<1024x128xf32, #tpu.memory_space<hbm>>, %arg8: memref<128x128xf32, #tpu.memory_space<vmem>>, %arg9: memref<128x128xf32, #tpu.memory_space<vmem>>, %arg10: memref<128x128xf32, #tpu.memory_space<vmem>>, %arg11: memref<128x128xf32, #tpu.memory_space<vmem>>, %arg12: memref<128xi32, #tpu.memory_space<vmem>>, %arg13: memref<128xi32, #tpu.memory_space<vmem>>, %arg14: memref<128xi32, #tpu.memory_space<vmem>>, %arg15: memref<128xi32, #tpu.memory_space<vmem>>, %arg16: memref<32x128xf32, #tpu.memory_space<vmem>>, %arg17: memref<32xi32, #tpu.memory_space<vmem>>, %arg18: memref<128x128xf32, #tpu.memory_space<vmem>>, %arg19: memref<32x128xf32, #tpu.memory_space<vmem>>, %arg20: memref<512x128xf32, #tpu.memory_space<vmem_shared>>, %arg21: memref<512x128xf32, #tpu.memory_space<vmem_shared>>, %arg22: memref<!tpu.dma_semaphore, #tpu.memory_space<semaphore_mem>>, %arg23: memref<!tpu.dma_semaphore, #tpu.memory_space<semaphore_mem>>, %arg24: memref<!tpu.dma_semaphore, #tpu.memory_space<semaphore_mem>>, %arg25: memref<!tpu.dma_semaphore, #tpu.memory_space<semaphore_mem>>, %arg26: memref<!tpu.dma_semaphore, #tpu.memory_space<semaphore_mem>>, %arg27: memref<!tpu.dma_semaphore, #tpu.memory_space<semaphore_mem>>, %arg28: memref<!tpu.dma_semaphore, #tpu.memory_space<semaphore_mem>>, %arg29: memref<!tpu.dma_semaphore, #tpu.memory_space<semaphore_mem>>) attributes {dimension_semantics = [#tpu.dimension_semantics<core_parallel>, #tpu.dimension_semantics<subcore_parallel>], iteration_bounds = array<i64: 2, 16>, scalar_prefetch = 0 : i64, scratch_operands = 22 : i64, tpu.core_type = #tpu.core_type<sc_vector_subcore>, window_params = [{transform_indices = #map}, {transform_indices = #map1}, {transform_indices = #map}, {transform_indices = #map}, {transform_indices = #map}, {transform_indices = #map}]} {
    %mul3A = arith.constant 16 : i32
    %mul3A_0 = arith.muli %arg0, %mul3A : i32
    %add3A = arith.addi %mul3A_0, %arg1 : i32
    %add3A_1 = arith.constant 0 : i32
    %add3A_2 = arith.addi %add3A_1, %add3A : i32
    %mul3A_3 = arith.constant 128 : i32
    %mul3A_4 = arith.muli %add3A_2, %mul3A_3 : i32
    %dma_start3A = tpu.memref_slice %arg3[%mul3A_4] : memref<100000xi32, #tpu.memory_space<hbm>> -> memref<128xi32, #tpu.memory_space<hbm>>
    %dma_start3A_5 = tpu.memref_slice %arg3[%mul3A_4] : memref<100000xi32, #tpu.memory_space<hbm>> -> memref<128xi32, #tpu.memory_space<hbm>>
    tpu.enqueue_dma source(%dma_start3A_5 : memref<128xi32, #tpu.memory_space<hbm>>) target(%arg12 : memref<128xi32, #tpu.memory_space<vmem>>) target_semaphore(%arg22 : memref<!tpu.dma_semaphore, #tpu.memory_space<semaphore_mem>>)
    %dma_start3A_6 = arith.constant 0 : i32
    %dma_start3A_7 = tpu.memref_slice %arg2[%mul3A_4, %dma_start3A_6] : memref<100000x128xf32, #tpu.memory_space<hbm>> -> memref<128x128xf32, #tpu.memory_space<hbm>>
    %dma_start3A_8 = arith.constant 0 : i32
    %dma_start3A_9 = tpu.memref_slice %arg2[%mul3A_4, %dma_start3A_8] : memref<100000x128xf32, #tpu.memory_space<hbm>> -> memref<128x128xf32, #tpu.memory_space<hbm>>
    tpu.enqueue_dma source(%dma_start3A_9 : memref<128x128xf32, #tpu.memory_space<hbm>>) target(%arg8 : memref<128x128xf32, #tpu.memory_space<vmem>>) target_semaphore(%arg22 : memref<!tpu.dma_semaphore, #tpu.memory_space<semaphore_mem>>)
    %add3A_10 = arith.constant 32 : i32
    %add3A_11 = arith.addi %add3A_10, %add3A : i32
    %mul3A_12 = arith.constant 128 : i32
    %mul3A_13 = arith.muli %add3A_11, %mul3A_12 : i32
    %dma_start3A_14 = tpu.memref_slice %arg3[%mul3A_13] : memref<100000xi32, #tpu.memory_space<hbm>> -> memref<128xi32, #tpu.memory_space<hbm>>
    %dma_start3A_15 = tpu.memref_slice %arg3[%mul3A_13] : memref<100000xi32, #tpu.memory_space<hbm>> -> memref<128xi32, #tpu.memory_space<hbm>>
    tpu.enqueue_dma source(%dma_start3A_15 : memref<128xi32, #tpu.memory_space<hbm>>) target(%arg13 : memref<128xi32, #tpu.memory_space<vmem>>) target_semaphore(%arg23 : memref<!tpu.dma_semaphore, #tpu.memory_space<semaphore_mem>>)
    %dma_start3A_16 = arith.constant 0 : i32
    %dma_start3A_17 = tpu.memref_slice %arg2[%mul3A_13, %dma_start3A_16] : memref<100000x128xf32, #tpu.memory_space<hbm>> -> memref<128x128xf32, #tpu.memory_space<hbm>>
    %dma_start3A_18 = arith.constant 0 : i32
    %dma_start3A_19 = tpu.memref_slice %arg2[%mul3A_13, %dma_start3A_18] : memref<100000x128xf32, #tpu.memory_space<hbm>> -> memref<128x128xf32, #tpu.memory_space<hbm>>
    tpu.enqueue_dma source(%dma_start3A_19 : memref<128x128xf32, #tpu.memory_space<hbm>>) target(%arg9 : memref<128x128xf32, #tpu.memory_space<vmem>>) target_semaphore(%arg23 : memref<!tpu.dma_semaphore, #tpu.memory_space<semaphore_mem>>)
    %add3A_20 = arith.constant 64 : i32
    %add3A_21 = arith.addi %add3A_20, %add3A : i32
    %mul3A_22 = arith.constant 128 : i32
    %mul3A_23 = arith.muli %add3A_21, %mul3A_22 : i32
    %dma_start3A_24 = tpu.memref_slice %arg3[%mul3A_23] : memref<100000xi32, #tpu.memory_space<hbm>> -> memref<128xi32, #tpu.memory_space<hbm>>
    %dma_start3A_25 = tpu.memref_slice %arg3[%mul3A_23] : memref<100000xi32, #tpu.memory_space<hbm>> -> memref<128xi32, #tpu.memory_space<hbm>>
    tpu.enqueue_dma source(%dma_start3A_25 : memref<128xi32, #tpu.memory_space<hbm>>) target(%arg14 : memref<128xi32, #tpu.memory_space<vmem>>) target_semaphore(%arg24 : memref<!tpu.dma_semaphore, #tpu.memory_space<semaphore_mem>>)
    %dma_start3A_26 = arith.constant 0 : i32
    %dma_start3A_27 = tpu.memref_slice %arg2[%mul3A_23, %dma_start3A_26] : memref<100000x128xf32, #tpu.memory_space<hbm>> -> memref<128x128xf32, #tpu.memory_space<hbm>>
    %dma_start3A_28 = arith.constant 0 : i32
    %dma_start3A_29 = tpu.memref_slice %arg2[%mul3A_23, %dma_start3A_28] : memref<100000x128xf32, #tpu.memory_space<hbm>> -> memref<128x128xf32, #tpu.memory_space<hbm>>
    tpu.enqueue_dma source(%dma_start3A_29 : memref<128x128xf32, #tpu.memory_space<hbm>>) target(%arg10 : memref<128x128xf32, #tpu.memory_space<vmem>>) target_semaphore(%arg24 : memref<!tpu.dma_semaphore, #tpu.memory_space<semaphore_mem>>)
    "tpu.region"() ({
      %run_scoped3A = tpu.sem_alloc : memref<!tpu.dma_semaphore, #tpu.memory_space<semaphore_mem>>
      tpu.enqueue_dma source(%arg4 : memref<32x128xf32, #tpu.memory_space<hbm>>) target(%arg19 : memref<32x128xf32, #tpu.memory_space<vmem>>) target_semaphore(%run_scoped3A : memref<!tpu.dma_semaphore, #tpu.memory_space<semaphore_mem>>)
      tpu.wait_dma2 semaphore(%run_scoped3A : memref<!tpu.dma_semaphore, #tpu.memory_space<semaphore_mem>>) src(%arg4 : memref<32x128xf32, #tpu.memory_space<hbm>>) dst(%arg19 : memref<32x128xf32, #tpu.memory_space<vmem>>)
      tpu.yield
    }) : () -> ()
    "tpu.region"() ({
      %run_scoped3A = tpu.sem_alloc : memref<!tpu.dma_semaphore, #tpu.memory_space<semaphore_mem>>
      tpu.enqueue_dma source(%arg5 : memref<128x128xf32, #tpu.memory_space<hbm>>) target(%arg18 : memref<128x128xf32, #tpu.memory_space<vmem>>) target_semaphore(%run_scoped3A : memref<!tpu.dma_semaphore, #tpu.memory_space<semaphore_mem>>)
      tpu.wait_dma2 semaphore(%run_scoped3A : memref<!tpu.dma_semaphore, #tpu.memory_space<semaphore_mem>>) src(%arg5 : memref<128x128xf32, #tpu.memory_space<hbm>>) dst(%arg18 : memref<128x128xf32, #tpu.memory_space<vmem>>)
      tpu.yield
    }) : () -> ()
    %mul3A_30 = arith.constant 32 : i32
    %mul3A_31 = arith.muli %arg1, %mul3A_30 : i32
    "tpu.region"() ({
      %run_scoped3A = tpu.sem_alloc : memref<!tpu.dma_semaphore, #tpu.memory_space<semaphore_mem>>
      %dma_start3A_60 = arith.constant 0 : i32
      %dma_start3A_61 = tpu.memref_slice %arg20[%mul3A_31, %dma_start3A_60] : memref<512x128xf32, #tpu.memory_space<vmem_shared>> -> memref<32x128xf32, #tpu.memory_space<vmem_shared>>
      %dma_start3A_62 = arith.constant 0 : i32
      %dma_start3A_63 = tpu.memref_slice %arg20[%mul3A_31, %dma_start3A_62] : memref<512x128xf32, #tpu.memory_space<vmem_shared>> -> memref<32x128xf32, #tpu.memory_space<vmem_shared>>
      tpu.enqueue_dma source(%arg19 : memref<32x128xf32, #tpu.memory_space<vmem>>) target(%dma_start3A_63 : memref<32x128xf32, #tpu.memory_space<vmem_shared>>) target_semaphore(%run_scoped3A : memref<!tpu.dma_semaphore, #tpu.memory_space<semaphore_mem>>)
      %dma_wait3A_64 = arith.constant 0 : i32
      %dma_wait3A_65 = tpu.memref_slice %arg20[%mul3A_31, %dma_wait3A_64] : memref<512x128xf32, #tpu.memory_space<vmem_shared>> -> memref<32x128xf32, #tpu.memory_space<vmem_shared>>
      %dma_wait3A_66 = arith.constant 0 : i32
      %dma_wait3A_67 = tpu.memref_slice %arg20[%mul3A_31, %dma_wait3A_66] : memref<512x128xf32, #tpu.memory_space<vmem_shared>> -> memref<32x128xf32, #tpu.memory_space<vmem_shared>>
      tpu.wait_dma2 semaphore(%run_scoped3A : memref<!tpu.dma_semaphore, #tpu.memory_space<semaphore_mem>>) src(%arg19 : memref<32x128xf32, #tpu.memory_space<vmem>>) dst(%dma_wait3A_67 : memref<32x128xf32, #tpu.memory_space<vmem_shared>>)
      tpu.yield
    }) : () -> ()
    "tpu.region"() ({
      %run_scoped3A = tpu.sem_alloc : memref<!tpu.dma_semaphore, #tpu.memory_space<semaphore_mem>>
      %dma_start3A_60 = arith.constant 0 : i32
      %dma_start3A_61 = tpu.memref_slice %arg21[%mul3A_31, %dma_start3A_60] : memref<512x128xf32, #tpu.memory_space<vmem_shared>> -> memref<32x128xf32, #tpu.memory_space<vmem_shared>>
      %dma_start3A_62 = arith.constant 0 : i32
      %dma_start3A_63 = tpu.memref_slice %arg21[%mul3A_31, %dma_start3A_62] : memref<512x128xf32, #tpu.memory_space<vmem_shared>> -> memref<32x128xf32, #tpu.memory_space<vmem_shared>>
      tpu.enqueue_dma source(%arg19 : memref<32x128xf32, #tpu.memory_space<vmem>>) target(%dma_start3A_63 : memref<32x128xf32, #tpu.memory_space<vmem_shared>>) target_semaphore(%run_scoped3A : memref<!tpu.dma_semaphore, #tpu.memory_space<semaphore_mem>>)
      %dma_wait3A_64 = arith.constant 0 : i32
      %dma_wait3A_65 = tpu.memref_slice %arg21[%mul3A_31, %dma_wait3A_64] : memref<512x128xf32, #tpu.memory_space<vmem_shared>> -> memref<32x128xf32, #tpu.memory_space<vmem_shared>>
      %dma_wait3A_66 = arith.constant 0 : i32
      %dma_wait3A_67 = tpu.memref_slice %arg21[%mul3A_31, %dma_wait3A_66] : memref<512x128xf32, #tpu.memory_space<vmem_shared>> -> memref<32x128xf32, #tpu.memory_space<vmem_shared>>
      tpu.wait_dma2 semaphore(%run_scoped3A : memref<!tpu.dma_semaphore, #tpu.memory_space<semaphore_mem>>) src(%arg19 : memref<32x128xf32, #tpu.memory_space<vmem>>) dst(%dma_wait3A_67 : memref<32x128xf32, #tpu.memory_space<vmem_shared>>)
      tpu.yield
    }) : () -> ()
    %barrier3A = arith.constant 0 : index
    tpu.barrier barrier_id(%barrier3A)
    %scan3A = arith.constant 0 : i32
    %scan3A_32 = arith.constant 0 : i32
    %scan3A_33 = arith.constant 6 : i32
    %scan3A_34 = arith.addi %scan3A_32, %scan3A_33 : i32
    %scan3A_35 = arith.constant 1 : i32
    scf.for %scan3A_60 = %scan3A_32 to %scan3A_34 step %scan3A_35  : i32 {
      %mul3A_61 = arith.constant 4 : i32
      %mul3A_62 = arith.muli %scan3A_60, %mul3A_61 : i32
      %add3A_63 = arith.constant 0 : i32
      %add3A_64 = arith.addi %mul3A_62, %add3A_63 : i32
      %dma_wait3A_65 = arith.constant 0 : i32
      %dma_wait3A_66 = tpu.memref_slice %arg3[%dma_wait3A_65] : memref<100000xi32, #tpu.memory_space<hbm>> -> memref<128xi32, #tpu.memory_space<hbm>>
      %dma_wait3A_67 = arith.constant 0 : i32
      %dma_wait3A_68 = tpu.memref_slice %arg3[%dma_wait3A_67] : memref<100000xi32, #tpu.memory_space<hbm>> -> memref<128xi32, #tpu.memory_space<hbm>>
      tpu.wait_dma2 semaphore(%arg22 : memref<!tpu.dma_semaphore, #tpu.memory_space<semaphore_mem>>) src(%dma_wait3A_68 : memref<128xi32, #tpu.memory_space<hbm>>) dst(%arg12 : memref<128xi32, #tpu.memory_space<vmem>>)
      %dma_wait3A_69 = arith.constant 0 : i32
      %dma_wait3A_70 = arith.constant 0 : i32
      %dma_wait3A_71 = tpu.memref_slice %arg2[%dma_wait3A_69, %dma_wait3A_70] : memref<100000x128xf32, #tpu.memory_space<hbm>> -> memref<128x128xf32, #tpu.memory_space<hbm>>
      %dma_wait3A_72 = arith.constant 0 : i32
      %dma_wait3A_73 = arith.constant 0 : i32
      %dma_wait3A_74 = tpu.memref_slice %arg2[%dma_wait3A_72, %dma_wait3A_73] : memref<100000x128xf32, #tpu.memory_space<hbm>> -> memref<128x128xf32, #tpu.memory_space<hbm>>
      tpu.wait_dma2 semaphore(%arg22 : memref<!tpu.dma_semaphore, #tpu.memory_space<semaphore_mem>>) src(%dma_wait3A_74 : memref<128x128xf32, #tpu.memory_space<hbm>>) dst(%arg8 : memref<128x128xf32, #tpu.memory_space<vmem>>)
      %dma_start3A_75 = arith.constant 0 : i32
      %dma_start3A_76 = arith.constant 0 : i32
      %dma_start3A_77 = tpu.memref_slice %arg20[%dma_start3A_75, %dma_start3A_76] : memref<512x128xf32, #tpu.memory_space<vmem_shared>> -> memref<512x128xf32, #tpu.memory_space<vmem_shared>>
      tpu.enqueue_indirect_dma source(%arg8 : memref<128x128xf32, #tpu.memory_space<vmem>>) target(%dma_start3A_77 : memref<512x128xf32, #tpu.memory_space<vmem_shared>>) offsets(%arg12 : memref<128xi32, #tpu.memory_space<vmem>>) semaphore(%arg26 : memref<!tpu.dma_semaphore, #tpu.memory_space<semaphore_mem>>) {add = true}
      %dma_start3A_78 = arith.constant 0 : i32
      %dma_start3A_79 = arith.constant 0 : i32
      %dma_start3A_80 = tpu.memref_slice %arg21[%dma_start3A_78, %dma_start3A_79] : memref<512x128xf32, #tpu.memory_space<vmem_shared>> -> memref<512x128xf32, #tpu.memory_space<vmem_shared>>
      tpu.enqueue_indirect_dma source(%arg18 : memref<128x128xf32, #tpu.memory_space<vmem>>) target(%dma_start3A_80 : memref<512x128xf32, #tpu.memory_space<vmem_shared>>) offsets(%arg12 : memref<128xi32, #tpu.memory_space<vmem>>) semaphore(%arg26 : memref<!tpu.dma_semaphore, #tpu.memory_space<semaphore_mem>>) {add = true}
      %ge3A = arith.constant 1 : i32
      %ge3A_81 = arith.cmpi sge, %add3A_64, %ge3A : i32
      %convert_element_type3A_82 = arith.extui %ge3A_81 : i1 to i32
      %cond3A_83 = arith.constant 0 : i32
      %cond3A_84 = arith.cmpi ne, %convert_element_type3A_82, %cond3A_83 : i32
      scf.if %cond3A_84 {
        %dma_wait3A_213 = arith.constant 0 : i32
        %dma_wait3A_214 = arith.constant 0 : i32
        %dma_wait3A_215 = tpu.memref_slice %arg20[%dma_wait3A_213, %dma_wait3A_214] : memref<512x128xf32, #tpu.memory_space<vmem_shared>> -> memref<512x128xf32, #tpu.memory_space<vmem_shared>>
        tpu.wait_indirect_dma semaphore(%arg29 : memref<!tpu.dma_semaphore, #tpu.memory_space<semaphore_mem>>) src(%arg11 : memref<128x128xf32, #tpu.memory_space<vmem>>) dst(%dma_wait3A_215 : memref<512x128xf32, #tpu.memory_space<vmem_shared>>)
        %dma_wait3A_216 = arith.constant 0 : i32
        %dma_wait3A_217 = arith.constant 0 : i32
        %dma_wait3A_218 = tpu.memref_slice %arg21[%dma_wait3A_216, %dma_wait3A_217] : memref<512x128xf32, #tpu.memory_space<vmem_shared>> -> memref<512x128xf32, #tpu.memory_space<vmem_shared>>
        tpu.wait_indirect_dma semaphore(%arg29 : memref<!tpu.dma_semaphore, #tpu.memory_space<semaphore_mem>>) src(%arg18 : memref<128x128xf32, #tpu.memory_space<vmem>>) dst(%dma_wait3A_218 : memref<512x128xf32, #tpu.memory_space<vmem_shared>>)
      } else {
      }
      %add3A_85 = arith.constant 3 : i32
      %add3A_86 = arith.addi %add3A_64, %add3A_85 : i32
      %lt3A_87 = arith.constant 24 : i32
      %lt3A_88 = arith.cmpi slt, %add3A_86, %lt3A_87 : i32
      %convert_element_type3A_89 = arith.extui %lt3A_88 : i1 to i32
      %cond3A_90 = arith.constant 0 : i32
      %cond3A_91 = arith.cmpi ne, %convert_element_type3A_89, %cond3A_90 : i32
      scf.if %cond3A_91 {
        %mul3A_213 = arith.constant 32 : i32
        %mul3A_214 = arith.muli %add3A_86, %mul3A_213 : i32
        %add3A_215 = arith.addi %mul3A_214, %add3A : i32
        %mul3A_216 = arith.constant 128 : i32
        %mul3A_217 = arith.muli %add3A_215, %mul3A_216 : i32
        %dma_start3A_218 = tpu.memref_slice %arg3[%mul3A_217] : memref<100000xi32, #tpu.memory_space<hbm>> -> memref<128xi32, #tpu.memory_space<hbm>>
        %dma_start3A_219 = tpu.memref_slice %arg3[%mul3A_217] : memref<100000xi32, #tpu.memory_space<hbm>> -> memref<128xi32, #tpu.memory_space<hbm>>
        tpu.enqueue_dma source(%dma_start3A_219 : memref<128xi32, #tpu.memory_space<hbm>>) target(%arg15 : memref<128xi32, #tpu.memory_space<vmem>>) target_semaphore(%arg25 : memref<!tpu.dma_semaphore, #tpu.memory_space<semaphore_mem>>)
        %dma_start3A_220 = arith.constant 0 : i32
        %dma_start3A_221 = tpu.memref_slice %arg2[%mul3A_217, %dma_start3A_220] : memref<100000x128xf32, #tpu.memory_space<hbm>> -> memref<128x128xf32, #tpu.memory_space<hbm>>
        %dma_start3A_222 = arith.constant 0 : i32
        %dma_start3A_223 = tpu.memref_slice %arg2[%mul3A_217, %dma_start3A_222] : memref<100000x128xf32, #tpu.memory_space<hbm>> -> memref<128x128xf32, #tpu.memory_space<hbm>>
        tpu.enqueue_dma source(%dma_start3A_223 : memref<128x128xf32, #tpu.memory_space<hbm>>) target(%arg11 : memref<128x128xf32, #tpu.memory_space<vmem>>) target_semaphore(%arg25 : memref<!tpu.dma_semaphore, #tpu.memory_space<semaphore_mem>>)
      } else {
      }
      %eq3A_92 = arith.constant 24 : i32
      %eq3A_93 = arith.cmpi eq, %add3A_86, %eq3A_92 : i32
      %lt3A_94 = arith.constant 13 : i32
      %lt3A_95 = arith.cmpi slt, %add3A, %lt3A_94 : i32
      %and3A = arith.andi %eq3A_93, %lt3A_95 : i1
      %convert_element_type3A_96 = arith.extui %and3A : i1 to i32
      %cond3A_97 = arith.constant 0 : i32
      %cond3A_98 = arith.cmpi ne, %convert_element_type3A_96, %cond3A_97 : i32
      scf.if %cond3A_98 {
        %add3A_213 = arith.constant 768 : i32
        %add3A_214 = arith.addi %add3A_213, %add3A : i32
        %mul3A_215 = arith.constant 128 : i32
        %mul3A_216 = arith.muli %add3A_214, %mul3A_215 : i32
        %dma_start3A_217 = tpu.memref_slice %arg3[%mul3A_216] : memref<100000xi32, #tpu.memory_space<hbm>> -> memref<128xi32, #tpu.memory_space<hbm>>
        %dma_start3A_218 = tpu.memref_slice %arg3[%mul3A_216] : memref<100000xi32, #tpu.memory_space<hbm>> -> memref<128xi32, #tpu.memory_space<hbm>>
        tpu.enqueue_dma source(%dma_start3A_218 : memref<128xi32, #tpu.memory_space<hbm>>) target(%arg15 : memref<128xi32, #tpu.memory_space<vmem>>) target_semaphore(%arg25 : memref<!tpu.dma_semaphore, #tpu.memory_space<semaphore_mem>>)
        %dma_start3A_219 = arith.constant 0 : i32
        %dma_start3A_220 = tpu.memref_slice %arg2[%mul3A_216, %dma_start3A_219] : memref<100000x128xf32, #tpu.memory_space<hbm>> -> memref<128x128xf32, #tpu.memory_space<hbm>>
        %dma_start3A_221 = arith.constant 0 : i32
        %dma_start3A_222 = tpu.memref_slice %arg2[%mul3A_216, %dma_start3A_221] : memref<100000x128xf32, #tpu.memory_space<hbm>> -> memref<128x128xf32, #tpu.memory_space<hbm>>
        tpu.enqueue_dma source(%dma_start3A_222 : memref<128x128xf32, #tpu.memory_space<hbm>>) target(%arg11 : memref<128x128xf32, #tpu.memory_space<vmem>>) target_semaphore(%arg25 : memref<!tpu.dma_semaphore, #tpu.memory_space<semaphore_mem>>)
      } else {
      }
      %add3A_99 = arith.constant 1 : i32
      %add3A_100 = arith.addi %mul3A_62, %add3A_99 : i32
      %dma_wait3A_101 = arith.constant 0 : i32
      %dma_wait3A_102 = tpu.memref_slice %arg3[%dma_wait3A_101] : memref<100000xi32, #tpu.memory_space<hbm>> -> memref<128xi32, #tpu.memory_space<hbm>>
      %dma_wait3A_103 = arith.constant 0 : i32
      %dma_wait3A_104 = tpu.memref_slice %arg3[%dma_wait3A_103] : memref<100000xi32, #tpu.memory_space<hbm>> -> memref<128xi32, #tpu.memory_space<hbm>>
      tpu.wait_dma2 semaphore(%arg23 : memref<!tpu.dma_semaphore, #tpu.memory_space<semaphore_mem>>) src(%dma_wait3A_104 : memref<128xi32, #tpu.memory_space<hbm>>) dst(%arg13 : memref<128xi32, #tpu.memory_space<vmem>>)
      %dma_wait3A_105 = arith.constant 0 : i32
      %dma_wait3A_106 = arith.constant 0 : i32
      %dma_wait3A_107 = tpu.memref_slice %arg2[%dma_wait3A_105, %dma_wait3A_106] : memref<100000x128xf32, #tpu.memory_space<hbm>> -> memref<128x128xf32, #tpu.memory_space<hbm>>
      %dma_wait3A_108 = arith.constant 0 : i32
      %dma_wait3A_109 = arith.constant 0 : i32
      %dma_wait3A_110 = tpu.memref_slice %arg2[%dma_wait3A_108, %dma_wait3A_109] : memref<100000x128xf32, #tpu.memory_space<hbm>> -> memref<128x128xf32, #tpu.memory_space<hbm>>
      tpu.wait_dma2 semaphore(%arg23 : memref<!tpu.dma_semaphore, #tpu.memory_space<semaphore_mem>>) src(%dma_wait3A_110 : memref<128x128xf32, #tpu.memory_space<hbm>>) dst(%arg9 : memref<128x128xf32, #tpu.memory_space<vmem>>)
      %dma_start3A_111 = arith.constant 0 : i32
      %dma_start3A_112 = arith.constant 0 : i32
      %dma_start3A_113 = tpu.memref_slice %arg20[%dma_start3A_111, %dma_start3A_112] : memref<512x128xf32, #tpu.memory_space<vmem_shared>> -> memref<512x128xf32, #tpu.memory_space<vmem_shared>>
      tpu.enqueue_indirect_dma source(%arg9 : memref<128x128xf32, #tpu.memory_space<vmem>>) target(%dma_start3A_113 : memref<512x128xf32, #tpu.memory_space<vmem_shared>>) offsets(%arg13 : memref<128xi32, #tpu.memory_space<vmem>>) semaphore(%arg27 : memref<!tpu.dma_semaphore, #tpu.memory_space<semaphore_mem>>) {add = true}
      %dma_start3A_114 = arith.constant 0 : i32
      %dma_start3A_115 = arith.constant 0 : i32
      %dma_start3A_116 = tpu.memref_slice %arg21[%dma_start3A_114, %dma_start3A_115] : memref<512x128xf32, #tpu.memory_space<vmem_shared>> -> memref<512x128xf32, #tpu.memory_space<vmem_shared>>
      tpu.enqueue_indirect_dma source(%arg18 : memref<128x128xf32, #tpu.memory_space<vmem>>) target(%dma_start3A_116 : memref<512x128xf32, #tpu.memory_space<vmem_shared>>) offsets(%arg13 : memref<128xi32, #tpu.memory_space<vmem>>) semaphore(%arg27 : memref<!tpu.dma_semaphore, #tpu.memory_space<semaphore_mem>>) {add = true}
      %ge3A_117 = arith.constant 1 : i32
      %ge3A_118 = arith.cmpi sge, %add3A_100, %ge3A_117 : i32
      %convert_element_type3A_119 = arith.extui %ge3A_118 : i1 to i32
      %cond3A_120 = arith.constant 0 : i32
      %cond3A_121 = arith.cmpi ne, %convert_element_type3A_119, %cond3A_120 : i32
      scf.if %cond3A_121 {
        %dma_wait3A_213 = arith.constant 0 : i32
        %dma_wait3A_214 = arith.constant 0 : i32
        %dma_wait3A_215 = tpu.memref_slice %arg20[%dma_wait3A_213, %dma_wait3A_214] : memref<512x128xf32, #tpu.memory_space<vmem_shared>> -> memref<512x128xf32, #tpu.memory_space<vmem_shared>>
        tpu.wait_indirect_dma semaphore(%arg26 : memref<!tpu.dma_semaphore, #tpu.memory_space<semaphore_mem>>) src(%arg8 : memref<128x128xf32, #tpu.memory_space<vmem>>) dst(%dma_wait3A_215 : memref<512x128xf32, #tpu.memory_space<vmem_shared>>)
        %dma_wait3A_216 = arith.constant 0 : i32
        %dma_wait3A_217 = arith.constant 0 : i32
        %dma_wait3A_218 = tpu.memref_slice %arg21[%dma_wait3A_216, %dma_wait3A_217] : memref<512x128xf32, #tpu.memory_space<vmem_shared>> -> memref<512x128xf32, #tpu.memory_space<vmem_shared>>
        tpu.wait_indirect_dma semaphore(%arg26 : memref<!tpu.dma_semaphore, #tpu.memory_space<semaphore_mem>>) src(%arg18 : memref<128x128xf32, #tpu.memory_space<vmem>>) dst(%dma_wait3A_218 : memref<512x128xf32, #tpu.memory_space<vmem_shared>>)
      } else {
      }
      %add3A_122 = arith.constant 3 : i32
      %add3A_123 = arith.addi %add3A_100, %add3A_122 : i32
      %lt3A_124 = arith.constant 24 : i32
      %lt3A_125 = arith.cmpi slt, %add3A_123, %lt3A_124 : i32
      %convert_element_type3A_126 = arith.extui %lt3A_125 : i1 to i32
      %cond3A_127 = arith.constant 0 : i32
      %cond3A_128 = arith.cmpi ne, %convert_element_type3A_126, %cond3A_127 : i32
      scf.if %cond3A_128 {
        %mul3A_213 = arith.constant 32 : i32
        %mul3A_214 = arith.muli %add3A_123, %mul3A_213 : i32
        %add3A_215 = arith.addi %mul3A_214, %add3A : i32
        %mul3A_216 = arith.constant 128 : i32
        %mul3A_217 = arith.muli %add3A_215, %mul3A_216 : i32
        %dma_start3A_218 = tpu.memref_slice %arg3[%mul3A_217] : memref<100000xi32, #tpu.memory_space<hbm>> -> memref<128xi32, #tpu.memory_space<hbm>>
        %dma_start3A_219 = tpu.memref_slice %arg3[%mul3A_217] : memref<100000xi32, #tpu.memory_space<hbm>> -> memref<128xi32, #tpu.memory_space<hbm>>
        tpu.enqueue_dma source(%dma_start3A_219 : memref<128xi32, #tpu.memory_space<hbm>>) target(%arg12 : memref<128xi32, #tpu.memory_space<vmem>>) target_semaphore(%arg22 : memref<!tpu.dma_semaphore, #tpu.memory_space<semaphore_mem>>)
        %dma_start3A_220 = arith.constant 0 : i32
        %dma_start3A_221 = tpu.memref_slice %arg2[%mul3A_217, %dma_start3A_220] : memref<100000x128xf32, #tpu.memory_space<hbm>> -> memref<128x128xf32, #tpu.memory_space<hbm>>
        %dma_start3A_222 = arith.constant 0 : i32
        %dma_start3A_223 = tpu.memref_slice %arg2[%mul3A_217, %dma_start3A_222] : memref<100000x128xf32, #tpu.memory_space<hbm>> -> memref<128x128xf32, #tpu.memory_space<hbm>>
        tpu.enqueue_dma source(%dma_start3A_223 : memref<128x128xf32, #tpu.memory_space<hbm>>) target(%arg8 : memref<128x128xf32, #tpu.memory_space<vmem>>) target_semaphore(%arg22 : memref<!tpu.dma_semaphore, #tpu.memory_space<semaphore_mem>>)
      } else {
      }
      %eq3A_129 = arith.constant 24 : i32
      %eq3A_130 = arith.cmpi eq, %add3A_123, %eq3A_129 : i32
      %lt3A_131 = arith.constant 13 : i32
      %lt3A_132 = arith.cmpi slt, %add3A, %lt3A_131 : i32
      %and3A_133 = arith.andi %eq3A_130, %lt3A_132 : i1
      %convert_element_type3A_134 = arith.extui %and3A_133 : i1 to i32
      %cond3A_135 = arith.constant 0 : i32
      %cond3A_136 = arith.cmpi ne, %convert_element_type3A_134, %cond3A_135 : i32
      scf.if %cond3A_136 {
        %add3A_213 = arith.constant 768 : i32
        %add3A_214 = arith.addi %add3A_213, %add3A : i32
        %mul3A_215 = arith.constant 128 : i32
        %mul3A_216 = arith.muli %add3A_214, %mul3A_215 : i32
        %dma_start3A_217 = tpu.memref_slice %arg3[%mul3A_216] : memref<100000xi32, #tpu.memory_space<hbm>> -> memref<128xi32, #tpu.memory_space<hbm>>
        %dma_start3A_218 = tpu.memref_slice %arg3[%mul3A_216] : memref<100000xi32, #tpu.memory_space<hbm>> -> memref<128xi32, #tpu.memory_space<hbm>>
        tpu.enqueue_dma source(%dma_start3A_218 : memref<128xi32, #tpu.memory_space<hbm>>) target(%arg12 : memref<128xi32, #tpu.memory_space<vmem>>) target_semaphore(%arg22 : memref<!tpu.dma_semaphore, #tpu.memory_space<semaphore_mem>>)
        %dma_start3A_219 = arith.constant 0 : i32
        %dma_start3A_220 = tpu.memref_slice %arg2[%mul3A_216, %dma_start3A_219] : memref<100000x128xf32, #tpu.memory_space<hbm>> -> memref<128x128xf32, #tpu.memory_space<hbm>>
        %dma_start3A_221 = arith.constant 0 : i32
        %dma_start3A_222 = tpu.memref_slice %arg2[%mul3A_216, %dma_start3A_221] : memref<100000x128xf32, #tpu.memory_space<hbm>> -> memref<128x128xf32, #tpu.memory_space<hbm>>
        tpu.enqueue_dma source(%dma_start3A_222 : memref<128x128xf32, #tpu.memory_space<hbm>>) target(%arg8 : memref<128x128xf32, #tpu.memory_space<vmem>>) target_semaphore(%arg22 : memref<!tpu.dma_semaphore, #tpu.memory_space<semaphore_mem>>)
      } else {
      }
      %add3A_137 = arith.constant 2 : i32
      %add3A_138 = arith.addi %mul3A_62, %add3A_137 : i32
      %dma_wait3A_139 = arith.constant 0 : i32
      %dma_wait3A_140 = tpu.memref_slice %arg3[%dma_wait3A_139] : memref<100000xi32, #tpu.memory_space<hbm>> -> memref<128xi32, #tpu.memory_space<hbm>>
      %dma_wait3A_141 = arith.constant 0 : i32
      %dma_wait3A_142 = tpu.memref_slice %arg3[%dma_wait3A_141] : memref<100000xi32, #tpu.memory_space<hbm>> -> memref<128xi32, #tpu.memory_space<hbm>>
      tpu.wait_dma2 semaphore(%arg24 : memref<!tpu.dma_semaphore, #tpu.memory_space<semaphore_mem>>) src(%dma_wait3A_142 : memref<128xi32, #tpu.memory_space<hbm>>) dst(%arg14 : memref<128xi32, #tpu.memory_space<vmem>>)
      %dma_wait3A_143 = arith.constant 0 : i32
      %dma_wait3A_144 = arith.constant 0 : i32
      %dma_wait3A_145 = tpu.memref_slice %arg2[%dma_wait3A_143, %dma_wait3A_144] : memref<100000x128xf32, #tpu.memory_space<hbm>> -> memref<128x128xf32, #tpu.memory_space<hbm>>
      %dma_wait3A_146 = arith.constant 0 : i32
      %dma_wait3A_147 = arith.constant 0 : i32
      %dma_wait3A_148 = tpu.memref_slice %arg2[%dma_wait3A_146, %dma_wait3A_147] : memref<100000x128xf32, #tpu.memory_space<hbm>> -> memref<128x128xf32, #tpu.memory_space<hbm>>
      tpu.wait_dma2 semaphore(%arg24 : memref<!tpu.dma_semaphore, #tpu.memory_space<semaphore_mem>>) src(%dma_wait3A_148 : memref<128x128xf32, #tpu.memory_space<hbm>>) dst(%arg10 : memref<128x128xf32, #tpu.memory_space<vmem>>)
      %dma_start3A_149 = arith.constant 0 : i32
      %dma_start3A_150 = arith.constant 0 : i32
      %dma_start3A_151 = tpu.memref_slice %arg20[%dma_start3A_149, %dma_start3A_150] : memref<512x128xf32, #tpu.memory_space<vmem_shared>> -> memref<512x128xf32, #tpu.memory_space<vmem_shared>>
      tpu.enqueue_indirect_dma source(%arg10 : memref<128x128xf32, #tpu.memory_space<vmem>>) target(%dma_start3A_151 : memref<512x128xf32, #tpu.memory_space<vmem_shared>>) offsets(%arg14 : memref<128xi32, #tpu.memory_space<vmem>>) semaphore(%arg28 : memref<!tpu.dma_semaphore, #tpu.memory_space<semaphore_mem>>) {add = true}
      %dma_start3A_152 = arith.constant 0 : i32
      %dma_start3A_153 = arith.constant 0 : i32
      %dma_start3A_154 = tpu.memref_slice %arg21[%dma_start3A_152, %dma_start3A_153] : memref<512x128xf32, #tpu.memory_space<vmem_shared>> -> memref<512x128xf32, #tpu.memory_space<vmem_shared>>
      tpu.enqueue_indirect_dma source(%arg18 : memref<128x128xf32, #tpu.memory_space<vmem>>) target(%dma_start3A_154 : memref<512x128xf32, #tpu.memory_space<vmem_shared>>) offsets(%arg14 : memref<128xi32, #tpu.memory_space<vmem>>) semaphore(%arg28 : memref<!tpu.dma_semaphore, #tpu.memory_space<semaphore_mem>>) {add = true}
      %ge3A_155 = arith.constant 1 : i32
      %ge3A_156 = arith.cmpi sge, %add3A_138, %ge3A_155 : i32
      %convert_element_type3A_157 = arith.extui %ge3A_156 : i1 to i32
      %cond3A_158 = arith.constant 0 : i32
      %cond3A_159 = arith.cmpi ne, %convert_element_type3A_157, %cond3A_158 : i32
      scf.if %cond3A_159 {
        %dma_wait3A_213 = arith.constant 0 : i32
        %dma_wait3A_214 = arith.constant 0 : i32
        %dma_wait3A_215 = tpu.memref_slice %arg20[%dma_wait3A_213, %dma_wait3A_214] : memref<512x128xf32, #tpu.memory_space<vmem_shared>> -> memref<512x128xf32, #tpu.memory_space<vmem_shared>>
        tpu.wait_indirect_dma semaphore(%arg27 : memref<!tpu.dma_semaphore, #tpu.memory_space<semaphore_mem>>) src(%arg9 : memref<128x128xf32, #tpu.memory_space<vmem>>) dst(%dma_wait3A_215 : memref<512x128xf32, #tpu.memory_space<vmem_shared>>)
        %dma_wait3A_216 = arith.constant 0 : i32
        %dma_wait3A_217 = arith.constant 0 : i32
        %dma_wait3A_218 = tpu.memref_slice %arg21[%dma_wait3A_216, %dma_wait3A_217] : memref<512x128xf32, #tpu.memory_space<vmem_shared>> -> memref<512x128xf32, #tpu.memory_space<vmem_shared>>
        tpu.wait_indirect_dma semaphore(%arg27 : memref<!tpu.dma_semaphore, #tpu.memory_space<semaphore_mem>>) src(%arg18 : memref<128x128xf32, #tpu.memory_space<vmem>>) dst(%dma_wait3A_218 : memref<512x128xf32, #tpu.memory_space<vmem_shared>>)
      } else {
      }
      %add3A_160 = arith.constant 3 : i32
      %add3A_161 = arith.addi %add3A_138, %add3A_160 : i32
      %lt3A_162 = arith.constant 24 : i32
      %lt3A_163 = arith.cmpi slt, %add3A_161, %lt3A_162 : i32
      %convert_element_type3A_164 = arith.extui %lt3A_163 : i1 to i32
      %cond3A_165 = arith.constant 0 : i32
      %cond3A_166 = arith.cmpi ne, %convert_element_type3A_164, %cond3A_165 : i32
      scf.if %cond3A_166 {
        %mul3A_213 = arith.constant 32 : i32
        %mul3A_214 = arith.muli %add3A_161, %mul3A_213 : i32
        %add3A_215 = arith.addi %mul3A_214, %add3A : i32
        %mul3A_216 = arith.constant 128 : i32
        %mul3A_217 = arith.muli %add3A_215, %mul3A_216 : i32
        %dma_start3A_218 = tpu.memref_slice %arg3[%mul3A_217] : memref<100000xi32, #tpu.memory_space<hbm>> -> memref<128xi32, #tpu.memory_space<hbm>>
        %dma_start3A_219 = tpu.memref_slice %arg3[%mul3A_217] : memref<100000xi32, #tpu.memory_space<hbm>> -> memref<128xi32, #tpu.memory_space<hbm>>
        tpu.enqueue_dma source(%dma_start3A_219 : memref<128xi32, #tpu.memory_space<hbm>>) target(%arg13 : memref<128xi32, #tpu.memory_space<vmem>>) target_semaphore(%arg23 : memref<!tpu.dma_semaphore, #tpu.memory_space<semaphore_mem>>)
        %dma_start3A_220 = arith.constant 0 : i32
        %dma_start3A_221 = tpu.memref_slice %arg2[%mul3A_217, %dma_start3A_220] : memref<100000x128xf32, #tpu.memory_space<hbm>> -> memref<128x128xf32, #tpu.memory_space<hbm>>
        %dma_start3A_222 = arith.constant 0 : i32
        %dma_start3A_223 = tpu.memref_slice %arg2[%mul3A_217, %dma_start3A_222] : memref<100000x128xf32, #tpu.memory_space<hbm>> -> memref<128x128xf32, #tpu.memory_space<hbm>>
        tpu.enqueue_dma source(%dma_start3A_223 : memref<128x128xf32, #tpu.memory_space<hbm>>) target(%arg9 : memref<128x128xf32, #tpu.memory_space<vmem>>) target_semaphore(%arg23 : memref<!tpu.dma_semaphore, #tpu.memory_space<semaphore_mem>>)
      } else {
      }
      %eq3A_167 = arith.constant 24 : i32
      %eq3A_168 = arith.cmpi eq, %add3A_161, %eq3A_167 : i32
      %lt3A_169 = arith.constant 13 : i32
      %lt3A_170 = arith.cmpi slt, %add3A, %lt3A_169 : i32
      %and3A_171 = arith.andi %eq3A_168, %lt3A_170 : i1
      %convert_element_type3A_172 = arith.extui %and3A_171 : i1 to i32
      %cond3A_173 = arith.constant 0 : i32
      %cond3A_174 = arith.cmpi ne, %convert_element_type3A_172, %cond3A_173 : i32
      scf.if %cond3A_174 {
        %add3A_213 = arith.constant 768 : i32
        %add3A_214 = arith.addi %add3A_213, %add3A : i32
        %mul3A_215 = arith.constant 128 : i32
        %mul3A_216 = arith.muli %add3A_214, %mul3A_215 : i32
        %dma_start3A_217 = tpu.memref_slice %arg3[%mul3A_216] : memref<100000xi32, #tpu.memory_space<hbm>> -> memref<128xi32, #tpu.memory_space<hbm>>
        %dma_start3A_218 = tpu.memref_slice %arg3[%mul3A_216] : memref<100000xi32, #tpu.memory_space<hbm>> -> memref<128xi32, #tpu.memory_space<hbm>>
        tpu.enqueue_dma source(%dma_start3A_218 : memref<128xi32, #tpu.memory_space<hbm>>) target(%arg13 : memref<128xi32, #tpu.memory_space<vmem>>) target_semaphore(%arg23 : memref<!tpu.dma_semaphore, #tpu.memory_space<semaphore_mem>>)
        %dma_start3A_219 = arith.constant 0 : i32
        %dma_start3A_220 = tpu.memref_slice %arg2[%mul3A_216, %dma_start3A_219] : memref<100000x128xf32, #tpu.memory_space<hbm>> -> memref<128x128xf32, #tpu.memory_space<hbm>>
        %dma_start3A_221 = arith.constant 0 : i32
        %dma_start3A_222 = tpu.memref_slice %arg2[%mul3A_216, %dma_start3A_221] : memref<100000x128xf32, #tpu.memory_space<hbm>> -> memref<128x128xf32, #tpu.memory_space<hbm>>
        tpu.enqueue_dma source(%dma_start3A_222 : memref<128x128xf32, #tpu.memory_space<hbm>>) target(%arg9 : memref<128x128xf32, #tpu.memory_space<vmem>>) target_semaphore(%arg23 : memref<!tpu.dma_semaphore, #tpu.memory_space<semaphore_mem>>)
      } else {
      }
      %add3A_175 = arith.constant 3 : i32
      %add3A_176 = arith.addi %mul3A_62, %add3A_175 : i32
      %dma_wait3A_177 = arith.constant 0 : i32
      %dma_wait3A_178 = tpu.memref_slice %arg3[%dma_wait3A_177] : memref<100000xi32, #tpu.memory_space<hbm>> -> memref<128xi32, #tpu.memory_space<hbm>>
      %dma_wait3A_179 = arith.constant 0 : i32
      %dma_wait3A_180 = tpu.memref_slice %arg3[%dma_wait3A_179] : memref<100000xi32, #tpu.memory_space<hbm>> -> memref<128xi32, #tpu.memory_space<hbm>>
      tpu.wait_dma2 semaphore(%arg25 : memref<!tpu.dma_semaphore, #tpu.memory_space<semaphore_mem>>) src(%dma_wait3A_180 : memref<128xi32, #tpu.memory_space<hbm>>) dst(%arg15 : memref<128xi32, #tpu.memory_space<vmem>>)
      %dma_wait3A_181 = arith.constant 0 : i32
      %dma_wait3A_182 = arith.constant 0 : i32
      %dma_wait3A_183 = tpu.memref_slice %arg2[%dma_wait3A_181, %dma_wait3A_182] : memref<100000x128xf32, #tpu.memory_space<hbm>> -> memref<128x128xf32, #tpu.memory_space<hbm>>
      %dma_wait3A_184 = arith.constant 0 : i32
      %dma_wait3A_185 = arith.constant 0 : i32
      %dma_wait3A_186 = tpu.memref_slice %arg2[%dma_wait3A_184, %dma_wait3A_185] : memref<100000x128xf32, #tpu.memory_space<hbm>> -> memref<128x128xf32, #tpu.memory_space<hbm>>
      tpu.wait_dma2 semaphore(%arg25 : memref<!tpu.dma_semaphore, #tpu.memory_space<semaphore_mem>>) src(%dma_wait3A_186 : memref<128x128xf32, #tpu.memory_space<hbm>>) dst(%arg11 : memref<128x128xf32, #tpu.memory_space<vmem>>)
      %dma_start3A_187 = arith.constant 0 : i32
      %dma_start3A_188 = arith.constant 0 : i32
      %dma_start3A_189 = tpu.memref_slice %arg20[%dma_start3A_187, %dma_start3A_188] : memref<512x128xf32, #tpu.memory_space<vmem_shared>> -> memref<512x128xf32, #tpu.memory_space<vmem_shared>>
      tpu.enqueue_indirect_dma source(%arg11 : memref<128x128xf32, #tpu.memory_space<vmem>>) target(%dma_start3A_189 : memref<512x128xf32, #tpu.memory_space<vmem_shared>>) offsets(%arg15 : memref<128xi32, #tpu.memory_space<vmem>>) semaphore(%arg29 : memref<!tpu.dma_semaphore, #tpu.memory_space<semaphore_mem>>) {add = true}
      %dma_start3A_190 = arith.constant 0 : i32
      %dma_start3A_191 = arith.constant 0 : i32
      %dma_start3A_192 = tpu.memref_slice %arg21[%dma_start3A_190, %dma_start3A_191] : memref<512x128xf32, #tpu.memory_space<vmem_shared>> -> memref<512x128xf32, #tpu.memory_space<vmem_shared>>
      tpu.enqueue_indirect_dma source(%arg18 : memref<128x128xf32, #tpu.memory_space<vmem>>) target(%dma_start3A_192 : memref<512x128xf32, #tpu.memory_space<vmem_shared>>) offsets(%arg15 : memref<128xi32, #tpu.memory_space<vmem>>) semaphore(%arg29 : memref<!tpu.dma_semaphore, #tpu.memory_space<semaphore_mem>>) {add = true}
      %ge3A_193 = arith.constant 1 : i32
      %ge3A_194 = arith.cmpi sge, %add3A_176, %ge3A_193 : i32
      %convert_element_type3A_195 = arith.extui %ge3A_194 : i1 to i32
      %cond3A_196 = arith.constant 0 : i32
      %cond3A_197 = arith.cmpi ne, %convert_element_type3A_195, %cond3A_196 : i32
      scf.if %cond3A_197 {
        %dma_wait3A_213 = arith.constant 0 : i32
        %dma_wait3A_214 = arith.constant 0 : i32
        %dma_wait3A_215 = tpu.memref_slice %arg20[%dma_wait3A_213, %dma_wait3A_214] : memref<512x128xf32, #tpu.memory_space<vmem_shared>> -> memref<512x128xf32, #tpu.memory_space<vmem_shared>>
        tpu.wait_indirect_dma semaphore(%arg28 : memref<!tpu.dma_semaphore, #tpu.memory_space<semaphore_mem>>) src(%arg10 : memref<128x128xf32, #tpu.memory_space<vmem>>) dst(%dma_wait3A_215 : memref<512x128xf32, #tpu.memory_space<vmem_shared>>)
        %dma_wait3A_216 = arith.constant 0 : i32
        %dma_wait3A_217 = arith.constant 0 : i32
        %dma_wait3A_218 = tpu.memref_slice %arg21[%dma_wait3A_216, %dma_wait3A_217] : memref<512x128xf32, #tpu.memory_space<vmem_shared>> -> memref<512x128xf32, #tpu.memory_space<vmem_shared>>
        tpu.wait_indirect_dma semaphore(%arg28 : memref<!tpu.dma_semaphore, #tpu.memory_space<semaphore_mem>>) src(%arg18 : memref<128x128xf32, #tpu.memory_space<vmem>>) dst(%dma_wait3A_218 : memref<512x128xf32, #tpu.memory_space<vmem_shared>>)
      } else {
      }
      %add3A_198 = arith.constant 3 : i32
      %add3A_199 = arith.addi %add3A_176, %add3A_198 : i32
      %lt3A_200 = arith.constant 24 : i32
      %lt3A_201 = arith.cmpi slt, %add3A_199, %lt3A_200 : i32
      %convert_element_type3A_202 = arith.extui %lt3A_201 : i1 to i32
      %cond3A_203 = arith.constant 0 : i32
      %cond3A_204 = arith.cmpi ne, %convert_element_type3A_202, %cond3A_203 : i32
      scf.if %cond3A_204 {
        %mul3A_213 = arith.constant 32 : i32
        %mul3A_214 = arith.muli %add3A_199, %mul3A_213 : i32
        %add3A_215 = arith.addi %mul3A_214, %add3A : i32
        %mul3A_216 = arith.constant 128 : i32
        %mul3A_217 = arith.muli %add3A_215, %mul3A_216 : i32
        %dma_start3A_218 = tpu.memref_slice %arg3[%mul3A_217] : memref<100000xi32, #tpu.memory_space<hbm>> -> memref<128xi32, #tpu.memory_space<hbm>>
        %dma_start3A_219 = tpu.memref_slice %arg3[%mul3A_217] : memref<100000xi32, #tpu.memory_space<hbm>> -> memref<128xi32, #tpu.memory_space<hbm>>
        tpu.enqueue_dma source(%dma_start3A_219 : memref<128xi32, #tpu.memory_space<hbm>>) target(%arg14 : memref<128xi32, #tpu.memory_space<vmem>>) target_semaphore(%arg24 : memref<!tpu.dma_semaphore, #tpu.memory_space<semaphore_mem>>)
        %dma_start3A_220 = arith.constant 0 : i32
        %dma_start3A_221 = tpu.memref_slice %arg2[%mul3A_217, %dma_start3A_220] : memref<100000x128xf32, #tpu.memory_space<hbm>> -> memref<128x128xf32, #tpu.memory_space<hbm>>
        %dma_start3A_222 = arith.constant 0 : i32
        %dma_start3A_223 = tpu.memref_slice %arg2[%mul3A_217, %dma_start3A_222] : memref<100000x128xf32, #tpu.memory_space<hbm>> -> memref<128x128xf32, #tpu.memory_space<hbm>>
        tpu.enqueue_dma source(%dma_start3A_223 : memref<128x128xf32, #tpu.memory_space<hbm>>) target(%arg10 : memref<128x128xf32, #tpu.memory_space<vmem>>) target_semaphore(%arg24 : memref<!tpu.dma_semaphore, #tpu.memory_space<semaphore_mem>>)
      } else {
      }
      %eq3A_205 = arith.constant 24 : i32
      %eq3A_206 = arith.cmpi eq, %add3A_199, %eq3A_205 : i32
      %lt3A_207 = arith.constant 13 : i32
      %lt3A_208 = arith.cmpi slt, %add3A, %lt3A_207 : i32
      %and3A_209 = arith.andi %eq3A_206, %lt3A_208 : i1
      %convert_element_type3A_210 = arith.extui %and3A_209 : i1 to i32
      %cond3A_211 = arith.constant 0 : i32
      %cond3A_212 = arith.cmpi ne, %convert_element_type3A_210, %cond3A_211 : i32
      scf.if %cond3A_212 {
        %add3A_213 = arith.constant 768 : i32
        %add3A_214 = arith.addi %add3A_213, %add3A : i32
        %mul3A_215 = arith.constant 128 : i32
        %mul3A_216 = arith.muli %add3A_214, %mul3A_215 : i32
        %dma_start3A_217 = tpu.memref_slice %arg3[%mul3A_216] : memref<100000xi32, #tpu.memory_space<hbm>> -> memref<128xi32, #tpu.memory_space<hbm>>
        %dma_start3A_218 = tpu.memref_slice %arg3[%mul3A_216] : memref<100000xi32, #tpu.memory_space<hbm>> -> memref<128xi32, #tpu.memory_space<hbm>>
        tpu.enqueue_dma source(%dma_start3A_218 : memref<128xi32, #tpu.memory_space<hbm>>) target(%arg14 : memref<128xi32, #tpu.memory_space<vmem>>) target_semaphore(%arg24 : memref<!tpu.dma_semaphore, #tpu.memory_space<semaphore_mem>>)
        %dma_start3A_219 = arith.constant 0 : i32
        %dma_start3A_220 = tpu.memref_slice %arg2[%mul3A_216, %dma_start3A_219] : memref<100000x128xf32, #tpu.memory_space<hbm>> -> memref<128x128xf32, #tpu.memory_space<hbm>>
        %dma_start3A_221 = arith.constant 0 : i32
        %dma_start3A_222 = tpu.memref_slice %arg2[%mul3A_216, %dma_start3A_221] : memref<100000x128xf32, #tpu.memory_space<hbm>> -> memref<128x128xf32, #tpu.memory_space<hbm>>
        tpu.enqueue_dma source(%dma_start3A_222 : memref<128x128xf32, #tpu.memory_space<hbm>>) target(%arg10 : memref<128x128xf32, #tpu.memory_space<vmem>>) target_semaphore(%arg24 : memref<!tpu.dma_semaphore, #tpu.memory_space<semaphore_mem>>)
      } else {
      }
    }
    %scan3A_36 = arith.constant 6 : i32
    %lt3A = arith.constant 13 : i32
    %lt3A_37 = arith.cmpi slt, %add3A, %lt3A : i32
    %convert_element_type3A = arith.extui %lt3A_37 : i1 to i32
    %cond3A = arith.constant 0 : i32
    %cond3A_38 = arith.cmpi ne, %convert_element_type3A, %cond3A : i32
    scf.if %cond3A_38 {
      %dma_wait3A_60 = arith.constant 0 : i32
      %dma_wait3A_61 = tpu.memref_slice %arg3[%dma_wait3A_60] : memref<100000xi32, #tpu.memory_space<hbm>> -> memref<128xi32, #tpu.memory_space<hbm>>
      %dma_wait3A_62 = arith.constant 0 : i32
      %dma_wait3A_63 = tpu.memref_slice %arg3[%dma_wait3A_62] : memref<100000xi32, #tpu.memory_space<hbm>> -> memref<128xi32, #tpu.memory_space<hbm>>
      tpu.wait_dma2 semaphore(%arg22 : memref<!tpu.dma_semaphore, #tpu.memory_space<semaphore_mem>>) src(%dma_wait3A_63 : memref<128xi32, #tpu.memory_space<hbm>>) dst(%arg12 : memref<128xi32, #tpu.memory_space<vmem>>)
      %dma_wait3A_64 = arith.constant 0 : i32
      %dma_wait3A_65 = arith.constant 0 : i32
      %dma_wait3A_66 = tpu.memref_slice %arg2[%dma_wait3A_64, %dma_wait3A_65] : memref<100000x128xf32, #tpu.memory_space<hbm>> -> memref<128x128xf32, #tpu.memory_space<hbm>>
      %dma_wait3A_67 = arith.constant 0 : i32
      %dma_wait3A_68 = arith.constant 0 : i32
      %dma_wait3A_69 = tpu.memref_slice %arg2[%dma_wait3A_67, %dma_wait3A_68] : memref<100000x128xf32, #tpu.memory_space<hbm>> -> memref<128x128xf32, #tpu.memory_space<hbm>>
      tpu.wait_dma2 semaphore(%arg22 : memref<!tpu.dma_semaphore, #tpu.memory_space<semaphore_mem>>) src(%dma_wait3A_69 : memref<128x128xf32, #tpu.memory_space<hbm>>) dst(%arg8 : memref<128x128xf32, #tpu.memory_space<vmem>>)
      %dma_start3A_70 = arith.constant 0 : i32
      %dma_start3A_71 = arith.constant 0 : i32
      %dma_start3A_72 = tpu.memref_slice %arg20[%dma_start3A_70, %dma_start3A_71] : memref<512x128xf32, #tpu.memory_space<vmem_shared>> -> memref<512x128xf32, #tpu.memory_space<vmem_shared>>
      tpu.enqueue_indirect_dma source(%arg8 : memref<128x128xf32, #tpu.memory_space<vmem>>) target(%dma_start3A_72 : memref<512x128xf32, #tpu.memory_space<vmem_shared>>) offsets(%arg12 : memref<128xi32, #tpu.memory_space<vmem>>) semaphore(%arg26 : memref<!tpu.dma_semaphore, #tpu.memory_space<semaphore_mem>>) {add = true}
      %dma_start3A_73 = arith.constant 0 : i32
      %dma_start3A_74 = arith.constant 0 : i32
      %dma_start3A_75 = tpu.memref_slice %arg21[%dma_start3A_73, %dma_start3A_74] : memref<512x128xf32, #tpu.memory_space<vmem_shared>> -> memref<512x128xf32, #tpu.memory_space<vmem_shared>>
      tpu.enqueue_indirect_dma source(%arg18 : memref<128x128xf32, #tpu.memory_space<vmem>>) target(%dma_start3A_75 : memref<512x128xf32, #tpu.memory_space<vmem_shared>>) offsets(%arg12 : memref<128xi32, #tpu.memory_space<vmem>>) semaphore(%arg26 : memref<!tpu.dma_semaphore, #tpu.memory_space<semaphore_mem>>) {add = true}
    } else {
    }
    %eq3A = arith.constant 31 : i32
    %eq3A_39 = arith.cmpi eq, %add3A, %eq3A : i32
    %convert_element_type3A_40 = arith.extui %eq3A_39 : i1 to i32
    %cond3A_41 = arith.constant 0 : i32
    %cond3A_42 = arith.cmpi ne, %convert_element_type3A_40, %cond3A_41 : i32
    scf.if %cond3A_42 {
      "tpu.region"() ({
        %run_scoped3A = tpu.sem_alloc : memref<!tpu.dma_semaphore, #tpu.memory_space<semaphore_mem>>
        %dma_start3A_60 = arith.constant 99968 : i32
        %dma_start3A_61 = tpu.memref_slice %arg3[%dma_start3A_60] : memref<100000xi32, #tpu.memory_space<hbm>> -> memref<32xi32, #tpu.memory_space<hbm>>
        %dma_start3A_62 = arith.constant 99968 : i32
        %dma_start3A_63 = tpu.memref_slice %arg3[%dma_start3A_62] : memref<100000xi32, #tpu.memory_space<hbm>> -> memref<32xi32, #tpu.memory_space<hbm>>
        tpu.enqueue_dma source(%dma_start3A_63 : memref<32xi32, #tpu.memory_space<hbm>>) target(%arg17 : memref<32xi32, #tpu.memory_space<vmem>>) target_semaphore(%run_scoped3A : memref<!tpu.dma_semaphore, #tpu.memory_space<semaphore_mem>>)
        %dma_wait3A_64 = arith.constant 99968 : i32
        %dma_wait3A_65 = tpu.memref_slice %arg3[%dma_wait3A_64] : memref<100000xi32, #tpu.memory_space<hbm>> -> memref<32xi32, #tpu.memory_space<hbm>>
        %dma_wait3A_66 = arith.constant 99968 : i32
        %dma_wait3A_67 = tpu.memref_slice %arg3[%dma_wait3A_66] : memref<100000xi32, #tpu.memory_space<hbm>> -> memref<32xi32, #tpu.memory_space<hbm>>
        tpu.wait_dma2 semaphore(%run_scoped3A : memref<!tpu.dma_semaphore, #tpu.memory_space<semaphore_mem>>) src(%dma_wait3A_67 : memref<32xi32, #tpu.memory_space<hbm>>) dst(%arg17 : memref<32xi32, #tpu.memory_space<vmem>>)
        tpu.yield
      }) : () -> ()
      "tpu.region"() ({
        %run_scoped3A = tpu.sem_alloc : memref<!tpu.dma_semaphore, #tpu.memory_space<semaphore_mem>>
        %dma_start3A_60 = arith.constant 99968 : i32
        %dma_start3A_61 = arith.constant 0 : i32
        %dma_start3A_62 = tpu.memref_slice %arg2[%dma_start3A_60, %dma_start3A_61] : memref<100000x128xf32, #tpu.memory_space<hbm>> -> memref<32x128xf32, #tpu.memory_space<hbm>>
        %dma_start3A_63 = arith.constant 99968 : i32
        %dma_start3A_64 = arith.constant 0 : i32
        %dma_start3A_65 = tpu.memref_slice %arg2[%dma_start3A_63, %dma_start3A_64] : memref<100000x128xf32, #tpu.memory_space<hbm>> -> memref<32x128xf32, #tpu.memory_space<hbm>>
        tpu.enqueue_dma source(%dma_start3A_65 : memref<32x128xf32, #tpu.memory_space<hbm>>) target(%arg16 : memref<32x128xf32, #tpu.memory_space<vmem>>) target_semaphore(%run_scoped3A : memref<!tpu.dma_semaphore, #tpu.memory_space<semaphore_mem>>)
        %dma_wait3A_66 = arith.constant 99968 : i32
        %dma_wait3A_67 = arith.constant 0 : i32
        %dma_wait3A_68 = tpu.memref_slice %arg2[%dma_wait3A_66, %dma_wait3A_67] : memref<100000x128xf32, #tpu.memory_space<hbm>> -> memref<32x128xf32, #tpu.memory_space<hbm>>
        %dma_wait3A_69 = arith.constant 99968 : i32
        %dma_wait3A_70 = arith.constant 0 : i32
        %dma_wait3A_71 = tpu.memref_slice %arg2[%dma_wait3A_69, %dma_wait3A_70] : memref<100000x128xf32, #tpu.memory_space<hbm>> -> memref<32x128xf32, #tpu.memory_space<hbm>>
        tpu.wait_dma2 semaphore(%run_scoped3A : memref<!tpu.dma_semaphore, #tpu.memory_space<semaphore_mem>>) src(%dma_wait3A_71 : memref<32x128xf32, #tpu.memory_space<hbm>>) dst(%arg16 : memref<32x128xf32, #tpu.memory_space<vmem>>)
        tpu.yield
      }) : () -> ()
      "tpu.region"() ({
        %run_scoped3A = tpu.sem_alloc : memref<!tpu.dma_semaphore, #tpu.memory_space<semaphore_mem>>
        %dma_start3A_60 = arith.constant 0 : i32
        %dma_start3A_61 = arith.constant 0 : i32
        %dma_start3A_62 = tpu.memref_slice %arg20[%dma_start3A_60, %dma_start3A_61] : memref<512x128xf32, #tpu.memory_space<vmem_shared>> -> memref<512x128xf32, #tpu.memory_space<vmem_shared>>
        tpu.enqueue_indirect_dma source(%arg16 : memref<32x128xf32, #tpu.memory_space<vmem>>) target(%dma_start3A_62 : memref<512x128xf32, #tpu.memory_space<vmem_shared>>) offsets(%arg17 : memref<32xi32, #tpu.memory_space<vmem>>) semaphore(%run_scoped3A : memref<!tpu.dma_semaphore, #tpu.memory_space<semaphore_mem>>) {add = true}
        %dma_wait3A_63 = arith.constant 0 : i32
        %dma_wait3A_64 = arith.constant 0 : i32
        %dma_wait3A_65 = tpu.memref_slice %arg20[%dma_wait3A_63, %dma_wait3A_64] : memref<512x128xf32, #tpu.memory_space<vmem_shared>> -> memref<512x128xf32, #tpu.memory_space<vmem_shared>>
        tpu.wait_indirect_dma semaphore(%run_scoped3A : memref<!tpu.dma_semaphore, #tpu.memory_space<semaphore_mem>>) src(%arg16 : memref<32x128xf32, #tpu.memory_space<vmem>>) dst(%dma_wait3A_65 : memref<512x128xf32, #tpu.memory_space<vmem_shared>>)
        tpu.yield
      }) : () -> ()
      "tpu.region"() ({
        %run_scoped3A = tpu.sem_alloc : memref<!tpu.dma_semaphore, #tpu.memory_space<semaphore_mem>>
        %dma_start3A_60 = arith.constant 0 : i32
        %dma_start3A_61 = arith.constant 0 : i32
        %dma_start3A_62 = tpu.memref_slice %arg18[%dma_start3A_60, %dma_start3A_61] : memref<128x128xf32, #tpu.memory_space<vmem>> -> memref<32x128xf32, #tpu.memory_space<vmem>>
        %dma_start3A_63 = arith.constant 0 : i32
        %dma_start3A_64 = arith.constant 0 : i32
        %dma_start3A_65 = tpu.memref_slice %arg21[%dma_start3A_63, %dma_start3A_64] : memref<512x128xf32, #tpu.memory_space<vmem_shared>> -> memref<512x128xf32, #tpu.memory_space<vmem_shared>>
        tpu.enqueue_indirect_dma source(%dma_start3A_62 : memref<32x128xf32, #tpu.memory_space<vmem>>) target(%dma_start3A_65 : memref<512x128xf32, #tpu.memory_space<vmem_shared>>) offsets(%arg17 : memref<32xi32, #tpu.memory_space<vmem>>) semaphore(%run_scoped3A : memref<!tpu.dma_semaphore, #tpu.memory_space<semaphore_mem>>) {add = true}
        %dma_wait3A_66 = arith.constant 0 : i32
        %dma_wait3A_67 = arith.constant 0 : i32
        %dma_wait3A_68 = tpu.memref_slice %arg18[%dma_wait3A_66, %dma_wait3A_67] : memref<128x128xf32, #tpu.memory_space<vmem>> -> memref<32x128xf32, #tpu.memory_space<vmem>>
        %dma_wait3A_69 = arith.constant 0 : i32
        %dma_wait3A_70 = arith.constant 0 : i32
        %dma_wait3A_71 = tpu.memref_slice %arg21[%dma_wait3A_69, %dma_wait3A_70] : memref<512x128xf32, #tpu.memory_space<vmem_shared>> -> memref<512x128xf32, #tpu.memory_space<vmem_shared>>
        tpu.wait_indirect_dma semaphore(%run_scoped3A : memref<!tpu.dma_semaphore, #tpu.memory_space<semaphore_mem>>) src(%dma_wait3A_68 : memref<32x128xf32, #tpu.memory_space<vmem>>) dst(%dma_wait3A_71 : memref<512x128xf32, #tpu.memory_space<vmem_shared>>)
        tpu.yield
      }) : () -> ()
    } else {
    }
    %dma_wait3A = arith.constant 0 : i32
    %dma_wait3A_43 = arith.constant 0 : i32
    %dma_wait3A_44 = tpu.memref_slice %arg20[%dma_wait3A, %dma_wait3A_43] : memref<512x128xf32, #tpu.memory_space<vmem_shared>> -> memref<512x128xf32, #tpu.memory_space<vmem_shared>>
    tpu.wait_indirect_dma semaphore(%arg29 : memref<!tpu.dma_semaphore, #tpu.memory_space<semaphore_mem>>) src(%arg11 : memref<128x128xf32, #tpu.memory_space<vmem>>) dst(%dma_wait3A_44 : memref<512x128xf32, #tpu.memory_space<vmem_shared>>)
    %dma_wait3A_45 = arith.constant 0 : i32
    %dma_wait3A_46 = arith.constant 0 : i32
    %dma_wait3A_47 = tpu.memref_slice %arg21[%dma_wait3A_45, %dma_wait3A_46] : memref<512x128xf32, #tpu.memory_space<vmem_shared>> -> memref<512x128xf32, #tpu.memory_space<vmem_shared>>
    tpu.wait_indirect_dma semaphore(%arg29 : memref<!tpu.dma_semaphore, #tpu.memory_space<semaphore_mem>>) src(%arg18 : memref<128x128xf32, #tpu.memory_space<vmem>>) dst(%dma_wait3A_47 : memref<512x128xf32, #tpu.memory_space<vmem_shared>>)
    %lt3A_48 = arith.constant 13 : i32
    %lt3A_49 = arith.cmpi slt, %add3A, %lt3A_48 : i32
    %convert_element_type3A_50 = arith.extui %lt3A_49 : i1 to i32
    %cond3A_51 = arith.constant 0 : i32
    %cond3A_52 = arith.cmpi ne, %convert_element_type3A_50, %cond3A_51 : i32
    scf.if %cond3A_52 {
      %dma_wait3A_60 = arith.constant 0 : i32
      %dma_wait3A_61 = arith.constant 0 : i32
      %dma_wait3A_62 = tpu.memref_slice %arg20[%dma_wait3A_60, %dma_wait3A_61] : memref<512x128xf32, #tpu.memory_space<vmem_shared>> -> memref<512x128xf32, #tpu.memory_space<vmem_shared>>
      tpu.wait_indirect_dma semaphore(%arg26 : memref<!tpu.dma_semaphore, #tpu.memory_space<semaphore_mem>>) src(%arg8 : memref<128x128xf32, #tpu.memory_space<vmem>>) dst(%dma_wait3A_62 : memref<512x128xf32, #tpu.memory_space<vmem_shared>>)
      %dma_wait3A_63 = arith.constant 0 : i32
      %dma_wait3A_64 = arith.constant 0 : i32
      %dma_wait3A_65 = tpu.memref_slice %arg21[%dma_wait3A_63, %dma_wait3A_64] : memref<512x128xf32, #tpu.memory_space<vmem_shared>> -> memref<512x128xf32, #tpu.memory_space<vmem_shared>>
      tpu.wait_indirect_dma semaphore(%arg26 : memref<!tpu.dma_semaphore, #tpu.memory_space<semaphore_mem>>) src(%arg18 : memref<128x128xf32, #tpu.memory_space<vmem>>) dst(%dma_wait3A_65 : memref<512x128xf32, #tpu.memory_space<vmem_shared>>)
    } else {
    }
    %barrier3A_53 = arith.constant 0 : index
    tpu.barrier barrier_id(%barrier3A_53)
    "tpu.region"() ({
      %run_scoped3A = tpu.sem_alloc : memref<!tpu.dma_semaphore, #tpu.memory_space<semaphore_mem>>
      %dma_start3A_60 = arith.constant 0 : i32
      %dma_start3A_61 = tpu.memref_slice %arg20[%mul3A_31, %dma_start3A_60] : memref<512x128xf32, #tpu.memory_space<vmem_shared>> -> memref<32x128xf32, #tpu.memory_space<vmem_shared>>
      %dma_start3A_62 = arith.constant 0 : i32
      %dma_start3A_63 = tpu.memref_slice %arg20[%mul3A_31, %dma_start3A_62] : memref<512x128xf32, #tpu.memory_space<vmem_shared>> -> memref<32x128xf32, #tpu.memory_space<vmem_shared>>
      tpu.enqueue_dma source(%dma_start3A_63 : memref<32x128xf32, #tpu.memory_space<vmem_shared>>) target(%arg19 : memref<32x128xf32, #tpu.memory_space<vmem>>) target_semaphore(%run_scoped3A : memref<!tpu.dma_semaphore, #tpu.memory_space<semaphore_mem>>)
      %dma_wait3A_64 = arith.constant 0 : i32
      %dma_wait3A_65 = tpu.memref_slice %arg20[%mul3A_31, %dma_wait3A_64] : memref<512x128xf32, #tpu.memory_space<vmem_shared>> -> memref<32x128xf32, #tpu.memory_space<vmem_shared>>
      %dma_wait3A_66 = arith.constant 0 : i32
      %dma_wait3A_67 = tpu.memref_slice %arg20[%mul3A_31, %dma_wait3A_66] : memref<512x128xf32, #tpu.memory_space<vmem_shared>> -> memref<32x128xf32, #tpu.memory_space<vmem_shared>>
      tpu.wait_dma2 semaphore(%run_scoped3A : memref<!tpu.dma_semaphore, #tpu.memory_space<semaphore_mem>>) src(%dma_wait3A_67 : memref<32x128xf32, #tpu.memory_space<vmem_shared>>) dst(%arg19 : memref<32x128xf32, #tpu.memory_space<vmem>>)
      tpu.yield
    }) : () -> ()
    %mul3A_54 = arith.constant 512 : i32
    %mul3A_55 = arith.muli %arg0, %mul3A_54 : i32
    %add3A_56 = arith.addi %mul3A_55, %mul3A_31 : i32
    "tpu.region"() ({
      %run_scoped3A = tpu.sem_alloc : memref<!tpu.dma_semaphore, #tpu.memory_space<semaphore_mem>>
      %dma_start3A_60 = arith.constant 0 : i32
      %dma_start3A_61 = tpu.memref_slice %arg6[%add3A_56, %dma_start3A_60] : memref<1024x128xf32, #tpu.memory_space<hbm>> -> memref<32x128xf32, #tpu.memory_space<hbm>>
      %dma_start3A_62 = arith.constant 0 : i32
      %dma_start3A_63 = tpu.memref_slice %arg6[%add3A_56, %dma_start3A_62] : memref<1024x128xf32, #tpu.memory_space<hbm>> -> memref<32x128xf32, #tpu.memory_space<hbm>>
      tpu.enqueue_dma source(%arg19 : memref<32x128xf32, #tpu.memory_space<vmem>>) target(%dma_start3A_63 : memref<32x128xf32, #tpu.memory_space<hbm>>) target_semaphore(%run_scoped3A : memref<!tpu.dma_semaphore, #tpu.memory_space<semaphore_mem>>)
      %dma_wait3A_64 = arith.constant 0 : i32
      %dma_wait3A_65 = tpu.memref_slice %arg6[%add3A_56, %dma_wait3A_64] : memref<1024x128xf32, #tpu.memory_space<hbm>> -> memref<32x128xf32, #tpu.memory_space<hbm>>
      %dma_wait3A_66 = arith.constant 0 : i32
      %dma_wait3A_67 = tpu.memref_slice %arg6[%add3A_56, %dma_wait3A_66] : memref<1024x128xf32, #tpu.memory_space<hbm>> -> memref<32x128xf32, #tpu.memory_space<hbm>>
      tpu.wait_dma2 semaphore(%run_scoped3A : memref<!tpu.dma_semaphore, #tpu.memory_space<semaphore_mem>>) src(%arg19 : memref<32x128xf32, #tpu.memory_space<vmem>>) dst(%dma_wait3A_67 : memref<32x128xf32, #tpu.memory_space<hbm>>)
      tpu.yield
    }) : () -> ()
    "tpu.region"() ({
      %run_scoped3A = tpu.sem_alloc : memref<!tpu.dma_semaphore, #tpu.memory_space<semaphore_mem>>
      %dma_start3A_60 = arith.constant 0 : i32
      %dma_start3A_61 = tpu.memref_slice %arg21[%mul3A_31, %dma_start3A_60] : memref<512x128xf32, #tpu.memory_space<vmem_shared>> -> memref<32x128xf32, #tpu.memory_space<vmem_shared>>
      %dma_start3A_62 = arith.constant 0 : i32
      %dma_start3A_63 = tpu.memref_slice %arg21[%mul3A_31, %dma_start3A_62] : memref<512x128xf32, #tpu.memory_space<vmem_shared>> -> memref<32x128xf32, #tpu.memory_space<vmem_shared>>
      tpu.enqueue_dma source(%dma_start3A_63 : memref<32x128xf32, #tpu.memory_space<vmem_shared>>) target(%arg19 : memref<32x128xf32, #tpu.memory_space<vmem>>) target_semaphore(%run_scoped3A : memref<!tpu.dma_semaphore, #tpu.memory_space<semaphore_mem>>)
      %dma_wait3A_64 = arith.constant 0 : i32
      %dma_wait3A_65 = tpu.memref_slice %arg21[%mul3A_31, %dma_wait3A_64] : memref<512x128xf32, #tpu.memory_space<vmem_shared>> -> memref<32x128xf32, #tpu.memory_space<vmem_shared>>
      %dma_wait3A_66 = arith.constant 0 : i32
      %dma_wait3A_67 = tpu.memref_slice %arg21[%mul3A_31, %dma_wait3A_66] : memref<512x128xf32, #tpu.memory_space<vmem_shared>> -> memref<32x128xf32, #tpu.memory_space<vmem_shared>>
      tpu.wait_dma2 semaphore(%run_scoped3A : memref<!tpu.dma_semaphore, #tpu.memory_space<semaphore_mem>>) src(%dma_wait3A_67 : memref<32x128xf32, #tpu.memory_space<vmem_shared>>) dst(%arg19 : memref<32x128xf32, #tpu.memory_space<vmem>>)
      tpu.yield
    }) : () -> ()
    %mul3A_57 = arith.constant 512 : i32
    %mul3A_58 = arith.muli %arg0, %mul3A_57 : i32
    %add3A_59 = arith.addi %mul3A_58, %mul3A_31 : i32
    "tpu.region"() ({
      %run_scoped3A = tpu.sem_alloc : memref<!tpu.dma_semaphore, #tpu.memory_space<semaphore_mem>>
      %dma_start3A_60 = arith.constant 0 : i32
      %dma_start3A_61 = tpu.memref_slice %arg7[%add3A_59, %dma_start3A_60] : memref<1024x128xf32, #tpu.memory_space<hbm>> -> memref<32x128xf32, #tpu.memory_space<hbm>>
      %dma_start3A_62 = arith.constant 0 : i32
      %dma_start3A_63 = tpu.memref_slice %arg7[%add3A_59, %dma_start3A_62] : memref<1024x128xf32, #tpu.memory_space<hbm>> -> memref<32x128xf32, #tpu.memory_space<hbm>>
      tpu.enqueue_dma source(%arg19 : memref<32x128xf32, #tpu.memory_space<vmem>>) target(%dma_start3A_63 : memref<32x128xf32, #tpu.memory_space<hbm>>) target_semaphore(%run_scoped3A : memref<!tpu.dma_semaphore, #tpu.memory_space<semaphore_mem>>)
      %dma_wait3A_64 = arith.constant 0 : i32
      %dma_wait3A_65 = tpu.memref_slice %arg7[%add3A_59, %dma_wait3A_64] : memref<1024x128xf32, #tpu.memory_space<hbm>> -> memref<32x128xf32, #tpu.memory_space<hbm>>
      %dma_wait3A_66 = arith.constant 0 : i32
      %dma_wait3A_67 = tpu.memref_slice %arg7[%add3A_59, %dma_wait3A_66] : memref<1024x128xf32, #tpu.memory_space<hbm>> -> memref<32x128xf32, #tpu.memory_space<hbm>>
      tpu.wait_dma2 semaphore(%run_scoped3A : memref<!tpu.dma_semaphore, #tpu.memory_space<semaphore_mem>>) src(%arg19 : memref<32x128xf32, #tpu.memory_space<vmem>>) dst(%dma_wait3A_67 : memref<32x128xf32, #tpu.memory_space<hbm>>)
      tpu.yield
    }) : () -> ()
    return
  }
}

module attributes {stable_mosaic.version = 14 : i64} {
  func.func @body(%arg0: memref<512x128xf32, #tpu.memory_space<vmem>>, %arg1: memref<512x128xf32, #tpu.memory_space<vmem>>, %arg2: memref<512x128xf32, #tpu.memory_space<vmem>>, %arg3: memref<512x128xf32, #tpu.memory_space<vmem>>, %arg4: memref<512x16xf32, #tpu.memory_space<vmem>>, %arg5: memref<128x64xf32, #tpu.memory_space<vmem>>, %arg6: memref<16x64xf32, #tpu.memory_space<vmem>>, %arg7: memref<1x64xf32, #tpu.memory_space<vmem>>, %arg8: memref<1x64xf32, #tpu.memory_space<vmem>>, %arg9: memref<1x64xf32, #tpu.memory_space<vmem>>, %arg10: memref<1x64xf32, #tpu.memory_space<vmem>>, %arg11: memref<1x1xf32, #tpu.memory_space<vmem>>, %arg12: memref<512x1xf32, #tpu.memory_space<vmem>>) attributes {dimension_semantics = [], scalar_prefetch = 0 : i64, scratch_operands = 0 : i64, tpu.core_type = #tpu.core_type<tc>} {
    %get3A = arith.constant 0 : index
    %get3A_0 = arith.constant 0 : index
    %get3A_1 = vector.load %arg0[%get3A, %get3A_0] : memref<512x128xf32, #tpu.memory_space<vmem>>, vector<512x128xf32>
    %get3A_2 = arith.constant 0 : index
    %get3A_3 = arith.constant 0 : index
    %get3A_4 = vector.load %arg1[%get3A_2, %get3A_3] : memref<512x128xf32, #tpu.memory_space<vmem>>, vector<512x128xf32>
    %add3A = arith.addf %get3A_1, %get3A_4 : vector<512x128xf32>
    %get3A_5 = arith.constant 0 : index
    %get3A_6 = arith.constant 0 : index
    %get3A_7 = vector.load %arg2[%get3A_5, %get3A_6] : memref<512x128xf32, #tpu.memory_space<vmem>>, vector<512x128xf32>
    %slice3A = vector.extract_strided_slice %get3A_7 {offsets = [0, 0], sizes = [512, 1], strides = [1, 1]} : vector<512x128xf32> to vector<512x1xf32>
    %get3A_8 = arith.constant 0 : index
    %get3A_9 = arith.constant 0 : index
    %get3A_10 = vector.load %arg3[%get3A_8, %get3A_9] : memref<512x128xf32, #tpu.memory_space<vmem>>, vector<512x128xf32>
    %slice3A_11 = vector.extract_strided_slice %get3A_10 {offsets = [0, 0], sizes = [512, 1], strides = [1, 1]} : vector<512x128xf32> to vector<512x1xf32>
    %add3A_12 = arith.addf %slice3A, %slice3A_11 : vector<512x1xf32>
    %max3A = arith.constant 1.000000e+00 : f32
    %max3A_13 = vector.broadcast %max3A : f32 to vector<512x1xf32>
    %max3A_14 = arith.maximumf %add3A_12, %max3A_13 : vector<512x1xf32>
    %div3A = vector.broadcast %max3A_14 : vector<512x1xf32> to vector<512x128xf32>
    %div3A_15 = arith.divf %add3A, %div3A : vector<512x128xf32>
    %get3A_16 = arith.constant 0 : index
    %get3A_17 = arith.constant 0 : index
    %get3A_18 = vector.load %arg5[%get3A_16, %get3A_17] : memref<128x64xf32, #tpu.memory_space<vmem>>, vector<128x64xf32>
    %dot_general3A = arith.constant dense<0.000000e+00> : vector<512x64xf32>
    %dot_general3A_19 = tpu.matmul %div3A_15, %get3A_18, %dot_general3A {dimension_numbers = #tpu.dot_dimension_numbers<[1], [0], [0], [1], [0, 0, 1, 1], [], []>, transpose_lhs_hint = false} : vector<512x128xf32>, vector<128x64xf32>, vector<512x64xf32> -> vector<512x64xf32>
    %get3A_20 = arith.constant 0 : index
    %get3A_21 = arith.constant 0 : index
    %get3A_22 = vector.load %arg4[%get3A_20, %get3A_21] : memref<512x16xf32, #tpu.memory_space<vmem>>, vector<512x16xf32>
    %get3A_23 = arith.constant 0 : index
    %get3A_24 = arith.constant 0 : index
    %get3A_25 = vector.load %arg6[%get3A_23, %get3A_24] : memref<16x64xf32, #tpu.memory_space<vmem>>, vector<16x64xf32>
    %dot_general3A_26 = arith.constant dense<0.000000e+00> : vector<512x64xf32>
    %dot_general3A_27 = tpu.matmul %get3A_22, %get3A_25, %dot_general3A_26 {dimension_numbers = #tpu.dot_dimension_numbers<[1], [0], [0], [1], [0, 0, 1, 1], [], []>, transpose_lhs_hint = false} : vector<512x16xf32>, vector<16x64xf32>, vector<512x64xf32> -> vector<512x64xf32>
    %add3A_28 = arith.addf %dot_general3A_19, %dot_general3A_27 : vector<512x64xf32>
    %get3A_29 = arith.constant 0 : index
    %get3A_30 = arith.constant 0 : index
    %get3A_31 = vector.load %arg7[%get3A_29, %get3A_30] : memref<1x64xf32, #tpu.memory_space<vmem>>, vector<1x64xf32>
    %add3A_32 = vector.broadcast %get3A_31 : vector<1x64xf32> to vector<512x64xf32>
    %add3A_33 = arith.addf %add3A_28, %add3A_32 : vector<512x64xf32>
    %reduce_sum3A = arith.constant dense<0.000000e+00> : vector<512xf32>
    %reduce_sum3A_34 = vector.multi_reduction <add>, %add3A_33, %reduce_sum3A [1] : vector<512x64xf32> to vector<512xf32>
    %broadcast_in_dim3A = vector.shape_cast %reduce_sum3A_34 : vector<512xf32> to vector<512x1xf32>
    %div3A_35 = arith.constant 6.400000e+01 : f32
    %div3A_36 = vector.broadcast %div3A_35 : f32 to vector<512x1xf32>
    %div3A_37 = arith.divf %broadcast_in_dim3A, %div3A_36 : vector<512x1xf32>
    %sub3A = vector.broadcast %div3A_37 : vector<512x1xf32> to vector<512x64xf32>
    %sub3A_38 = arith.subf %add3A_33, %sub3A : vector<512x64xf32>
    %sub3A_39 = vector.broadcast %div3A_37 : vector<512x1xf32> to vector<512x64xf32>
    %sub3A_40 = arith.subf %add3A_33, %sub3A_39 : vector<512x64xf32>
    %mul3A = arith.mulf %sub3A_38, %sub3A_40 : vector<512x64xf32>
    %reduce_sum3A_41 = arith.constant dense<0.000000e+00> : vector<512xf32>
    %reduce_sum3A_42 = vector.multi_reduction <add>, %mul3A, %reduce_sum3A_41 [1] : vector<512x64xf32> to vector<512xf32>
    %broadcast_in_dim3A_43 = vector.shape_cast %reduce_sum3A_42 : vector<512xf32> to vector<512x1xf32>
    %div3A_44 = arith.constant 6.400000e+01 : f32
    %div3A_45 = vector.broadcast %div3A_44 : f32 to vector<512x1xf32>
    %div3A_46 = arith.divf %broadcast_in_dim3A_43, %div3A_45 : vector<512x1xf32>
    %sub3A_47 = vector.broadcast %div3A_37 : vector<512x1xf32> to vector<512x64xf32>
    %sub3A_48 = arith.subf %add3A_33, %sub3A_47 : vector<512x64xf32>
    %add3A_49 = arith.constant 9.99999974E-6 : f32
    %add3A_50 = vector.broadcast %add3A_49 : f32 to vector<512x1xf32>
    %add3A_51 = arith.addf %div3A_46, %add3A_50 : vector<512x1xf32>
    %rsqrt3A = math.rsqrt %add3A_51 : vector<512x1xf32>
    %mul3A_52 = vector.broadcast %rsqrt3A : vector<512x1xf32> to vector<512x64xf32>
    %mul3A_53 = arith.mulf %sub3A_48, %mul3A_52 : vector<512x64xf32>
    %get3A_54 = arith.constant 0 : index
    %get3A_55 = arith.constant 0 : index
    %get3A_56 = vector.load %arg8[%get3A_54, %get3A_55] : memref<1x64xf32, #tpu.memory_space<vmem>>, vector<1x64xf32>
    %mul3A_57 = vector.broadcast %get3A_56 : vector<1x64xf32> to vector<512x64xf32>
    %mul3A_58 = arith.mulf %mul3A_53, %mul3A_57 : vector<512x64xf32>
    %get3A_59 = arith.constant 0 : index
    %get3A_60 = arith.constant 0 : index
    %get3A_61 = vector.load %arg9[%get3A_59, %get3A_60] : memref<1x64xf32, #tpu.memory_space<vmem>>, vector<1x64xf32>
    %add3A_62 = vector.broadcast %get3A_61 : vector<1x64xf32> to vector<512x64xf32>
    %add3A_63 = arith.addf %mul3A_58, %add3A_62 : vector<512x64xf32>
    %max3A_64 = arith.constant 0.000000e+00 : f32
    %max3A_65 = vector.broadcast %max3A_64 : f32 to vector<512x64xf32>
    %max3A_66 = arith.maximumf %add3A_63, %max3A_65 : vector<512x64xf32>
    %get3A_67 = arith.constant 0 : index
    %get3A_68 = arith.constant 0 : index
    %get3A_69 = vector.load %arg10[%get3A_67, %get3A_68] : memref<1x64xf32, #tpu.memory_space<vmem>>, vector<1x64xf32>
    %mul3A_70 = vector.broadcast %get3A_69 : vector<1x64xf32> to vector<512x64xf32>
    %mul3A_71 = arith.mulf %max3A_66, %mul3A_70 : vector<512x64xf32>
    %reduce_sum3A_72 = arith.constant dense<0.000000e+00> : vector<512xf32>
    %reduce_sum3A_73 = vector.multi_reduction <add>, %mul3A_71, %reduce_sum3A_72 [1] : vector<512x64xf32> to vector<512xf32>
    %broadcast_in_dim3A_74 = vector.shape_cast %reduce_sum3A_73 : vector<512xf32> to vector<512x1xf32>
    %get3A_75 = arith.constant 0 : index
    %get3A_76 = arith.constant 0 : index
    %get3A_77 = vector.load %arg11[%get3A_75, %get3A_76] : memref<1x1xf32, #tpu.memory_space<vmem>>, vector<1x1xf32>
    %add3A_78 = vector.broadcast %get3A_77 : vector<1x1xf32> to vector<512x1xf32>
    %add3A_79 = arith.addf %broadcast_in_dim3A_74, %add3A_78 : vector<512x1xf32>
    %swap3A = arith.constant 0 : index
    %swap3A_80 = arith.constant 0 : index
    %swap3A_81 = vector.load %arg12[%swap3A, %swap3A_80] : memref<512x1xf32, #tpu.memory_space<vmem>>, vector<512x1xf32>
    tpu.vector_store %arg12[%swap3A, %swap3A_80], %add3A_79 {strides = array<i32>} : memref<512x1xf32, #tpu.memory_space<vmem>>, vector<512x1xf32>,
    return
  }
}

</mosaic_0001>

<sc_bundles>
// kernel: kernel.4.cloned.1.call-start
scs
__scs_entry_jumppad:
0x0: {  	(pc) =	sbr.rel $0x88, $3  }
0x1: {  	(tag) =	ssettag $0x0;
	lr =	simm.s32 $0x1  }
0x2: {  	[smem:$0x3F98] =	sst lr;
	_ =	strace $0xD0000000  }
0x3: {  	_ = 	snop  }
0x4: {  	_ = 	snop  }
0x5: {  	_ = 	snop  }
0x6: {  	_ = 	snop  }
0x7: {  	_ = 	snop  }
__scs_overlays_trampoline_lowered:
0x8: {  	[smem:$0x3FA7] =	sst s0  }
0x9: {  	[smem:$0x3FA8] =	sst s1  }
0xa: {  	[smem:$0x3FA9] =	sst s2  }
0xb: {  	[smem:$0x3FAA] =	sst s3  }
0xc: {  	[smem:$0x3FAB] =	sst s4  }
0xd: {  	[smem:$0x3FAC] =	sst s5  }
0xe: {  	[smem:$0x3FAD] =	sst s6  }
0xf: {  	[smem:$0x3FAE] =	sst s7  }
0x10: {  	[smem:$0x3FAF] =	sst s8  }
0x11: {  	[smem:$0x3FB0] =	sst s9;
	s0 =	simm.s32 @!p0 $0x0  }
0x12: {  	s1 =	sld [smem:$0x3F96];
	s0 =	simm.s32 @p0 $0x1  }
0x13: {  	[smem:$0x3FB1] =	sst s0;
	s0 =	simm.s32 @!p1 $0x0  }
0x14: {  	s2 =	sld [smem:$0x3F95];
	s0 =	simm.s32 @p1 $0x1  }
0x15: {  	[smem:$0x3FB2] =	sst s0;
	s0 =	simm.s32 @!p2 $0x0  }
0x16: {  	s3 =	sld [smem:$0x3FDB];
	s0 =	simm.s32 @p2 $0x1  }
0x17: {  	s4 =	simm.s32 $0x1BF5;
	[smem:$0x3FB4] =	sst s0  }
0x18: {  	s0 =	sld [smem:$0x3F97];
	_ =	swait.ge [sflag:s4], $0x0  }
0x19: {  	s7 =	sld [smem:$0x3F98]  }
0x1a: {  	s8 =	sadd.s32 $0xFFFFE003, lr  }
0x1b: {  	s9 =	sadd.s32 $0xFFFFFEF7, lr;
	s5 =	simm.s32 $0xFFFFFFFF;
	p2 =	slt.u32 s8, $0xFFFFF086  }
0x1c: {  	p1 =	slt.u32 s9, $0xF7A;
	s5 =	simm.s32 @!p2 $0x0  }
0x1d: {  	s5 =	simm.s32 @p1 $0x1;
	p0 =	seq.s32 s7, s2  }
0x1e: {  	s7 =	smul.u32 @!p0 $0xF7A, s2;
	p2 =	seq.s32 @!p0 s5, $0x0  }
0x1f: {  	s9 =	smul.u32 $0xF7A, s1;
	s8 =	simm.s32 @!p0 $0x1BF5;
	p2 =	por !p2, p0  }
0x20: {  	[sflag:s8] =	ssyncset.s32 @!p0 $0xFFFFF086;
	s6 =	sadd.s32 @!p0 s3, s7;
	s7 =	simm.s32 @!p0 $0x108  }
0x21: {  	s3 =	sadd.s32 s3, s9;
	s6 =	sadd.s32 @!p0 $0x88, s6;
	s7 =	simm.s32 @p2 $0x1082  }
0x22: {  	[simem:s7], [sflag:s8] =	dma.local @!p0 [hbm:s6], $0xF7A  }
0x23: {  	s9 =	sor.u32 $0xD0000000, s2;
	s6 =	simm.s32 $0x108;
	_ =	swait.ge @!p0 [sflag:s8], $0x0  }
0x24: {  	s3 =	sadd.s32 $0x88, s3;
	s6 =	simm.s32 @!p1 $0x1082;
	[sflag:s4] =	ssyncset.s32 $0xFFFFF086  }
0x25: {  	[simem:s6], [sflag:s4] =	dma.local [hbm:s3], $0xF7A  }
0x26: {  	[smem:$0x3F98] =	sst s1;
	(tag) =	ssettag s2;
	_ =	strace s9  }
0x27: {  	s1 =	sld [smem:$0x3FA8]  }
0x28: {  	s2 =	sld [smem:$0x3FA9]  }
0x29: {  	s4 =	sld [smem:$0x3FAB]  }
0x2a: {  	p0 =	seq.s32 s5, $0x0;
	s5 =	sld [smem:$0x3FAC]  }
0x2b: {  	s6 =	sld [smem:$0x3FAD]  }
0x2c: {  	s7 =	sld [smem:$0x3FAE]  }
0x2d: {  	s3 =	simm.s32 $0x108;
	s8 =	sld [smem:$0x3FAF]  }
0x2e: {  	s3 =	simm.s32 @!p0 $0x1082;
	s9 =	sld [smem:$0x3FB0]  }
0x2f: {  	lr =	sadd.s32 s0, s3;
	s0 =	sld [smem:$0x3FA7]  }
0x30: {  	s3 =	sld [smem:$0x3FAA]  }
0x31: {  	[smem:$0x3FB3] =	sst s10  }
0x32: {  	s10 =	sld [smem:$0x3FB1];
	_ =	sdelay $0x3  }
0x33: {  	p0 =	seq.s32 s10, $0x1;
	s10 =	sld [smem:$0x3FB3];
	_ =	sdelay $0x3  }
0x34: {  	[smem:$0x3FB3] =	sst s10  }
0x35: {  	s10 =	sld [smem:$0x3FB2];
	_ =	sdelay $0x3  }
0x36: {  	p1 =	seq.s32 s10, $0x1;
	s10 =	sld [smem:$0x3FB3];
	_ =	sdelay $0x3  }
0x37: {  	[smem:$0x3FB3] =	sst s10  }
0x38: {  	s10 =	sld [smem:$0x3FB4]  }
0x39: {  	_ = 	snop;
	(pc) =	sbr.ind lr, $3  }
0x3a: {  	_ = 	snop  }
0x3b: {  	_ = 	snop  }
0x3c: {  	p2 =	seq.s32 s10, $0x1;
	s10 =	sld [smem:$0x3FB3]  }
0x3d: {  	_ =	shalt  }
0x3e: {  	_ =	shalt  }
0x3f: {  	_ =	shalt  }
0x40: {  	_ =	shalt  }
0x41: {  	_ =	shalt  }
0x42: {  	_ =	shalt  }
0x43: {  	_ =	shalt  }
0x44: {  	_ =	shalt  }
0x45: {  	_ =	shalt  }
0x46: {  	_ =	shalt  }
0x47: {  	_ =	shalt  }
0x48: {  	_ =	shalt  }
0x49: {  	_ =	shalt  }
0x4a: {  	_ =	shalt  }
0x4b: {  	_ =	shalt  }
0x4c: {  	_ =	shalt  }
0x4d: {  	_ =	shalt  }
0x4e: {  	_ =	shalt  }
0x4f: {  	_ =	shalt  }
0x50: {  	_ =	shalt  }
0x51: {  	_ =	shalt  }
0x52: {  	_ =	shalt  }
0x53: {  	_ =	shalt  }
0x54: {  	_ =	shalt  }
0x55: {  	_ =	shalt  }
0x56: {  	_ =	shalt  }
0x57: {  	_ =	shalt  }
0x58: {  	_ =	shalt  }
0x59: {  	_ =	shalt  }
0x5a: {  	_ =	shalt  }
0x5b: {  	_ =	shalt  }
0x5c: {  	_ =	shalt  }
0x5d: {  	_ =	shalt  }
0x5e: {  	_ =	shalt  }
0x5f: {  	_ =	shalt  }
0x60: {  	_ =	shalt  }
0x61: {  	_ =	shalt  }
0x62: {  	_ =	shalt  }
0x63: {  	_ =	shalt  }
0x64: {  	_ =	shalt  }
0x65: {  	_ =	shalt  }
0x66: {  	_ =	shalt  }
0x67: {  	_ =	shalt  }
0x68: {  	_ =	shalt  }
0x69: {  	_ =	shalt  }
0x6a: {  	_ =	shalt  }
0x6b: {  	_ =	shalt  }
0x6c: {  	_ =	shalt  }
0x6d: {  	_ =	shalt  }
0x6e: {  	_ =	shalt  }
0x6f: {  	_ =	shalt  }
0x70: {  	_ =	shalt  }
0x71: {  	_ =	shalt  }
0x72: {  	_ =	shalt  }
0x73: {  	_ =	shalt  }
0x74: {  	_ =	shalt  }
0x75: {  	_ =	shalt  }
0x76: {  	_ =	shalt  }
0x77: {  	_ =	shalt  }
0x78: {  	_ =	shalt  }
0x79: {  	_ =	shalt  }
0x7a: {  	_ =	shalt  }
0x7b: {  	_ =	shalt  }
0x7c: {  	_ =	shalt  }
0x7d: {  	_ =	shalt  }
0x7e: {  	_ =	shalt  }
0x7f: {  	_ =	shalt  }
0x80: {  	_ =	shalt  }
0x81: {  	_ =	shalt  }
0x82: {  	_ =	shalt  }
0x83: {  	_ =	shalt  }
0x84: {  	_ =	shalt  }
0x85: {  	_ =	shalt  }
0x86: {  	_ =	shalt  }
0x87: {  	_ =	shalt  }
.Lfunc_end0:
.L_simem_size_0:
called_computation_lowered:
.L_overlay_start_0:
0x88: {  	s2 =	sld [smem:$0x3FD9]  }
0x89: {  	s3 =	sld [smem:$0x3FFE];
	_ =	sdelay $0x1  }
0x8a: {  	s1 =	srdreg.scid  }
0x8b: {  	s0 =	sand.u32 $0x1, s1  }
0x8c: {  	s17 =	sshll.u32 s0, $0xA;
	s2 =	sadd.s32 s3, s2  }
0x8d: {  	s2 =	sadd.s32 s2, s17  }
0x8e: {  	[smem:$0x3FBF] =	sst s2  }
0x8f: {  	_ = 	snop  }
0x90: {  	s2 =	sld [smem:$0x3FC9]  }
0x91: {  	s18 =	sld [smem:$0x3FC8];
	(tm) =	ssettm $0x1  }
0x92: {  	s4 =	sld [smem:$0x3FFB];
	_ =	sdelay $0x3  }
0x93: {  	_ =	strace s4  }
0x94: {  	s4 =	sld [smem:$0x3FFC];
	_ =	sdelay $0x3  }
0x95: {  	_ =	strace s4  }
0x96: {  	s4 =	sld [smem:$0x3FFD];
	_ =	sdelay $0x3  }
0x97: {  	_ =	strace s4  }
0x98: {  	_ =	strace $0x8FFFFFFF  }
0x99: {  	s19 =	sld [smem:$0x3FDB];
	_ =	sdelay $0x1  }
0x9a: {  	s5 =	simm.s32 $_scs_section_size  }
0x9b: {  	s6 =	simm.s32 $_size__tile_overlayer_lowered;
	s7 =	simm.s32 $_tile_overlayer_lowered  }
0x9c: {  	s22 =	simm.s32 $0x1BFF;
	s21 =	sshll.u32 s7, $0x1;
	s4 =	sadd.s32 s5, s19  }
0x9d: {  	s8 =	simm.s32 $0x0;
	s20 =	sshll.u32 s6, $0x1;
	s6 =	sadd.s32 s21, s4  }
0x9e: {  	[timem:s8], [sflag:s22] =	dma.local [hbm:s6], s20  }
0x9f: {  	_ =	swait.ge [sflag:s22], s20  }
0xa0: {  	s5 =	ssub.s32 $0x0, s20;
	[sflag:s22] =	ssyncset.done $0x0  }
0xa1: {  	[sflag:s22] =	ssyncadd.s32 s5;
	_ =	sdelay $0x1  }
0xa2: {  	s23 =	simm.s32 $0x1B8B  }
0xa3: {  	_ =	swait.ge [sflag:s23], $0x1  }
0xa4: {  	[sflag:s23] =	ssyncset.done $0x0  }
0xa5: {  	s25 =	simm.s32 $0x1B8E;
	s24 =	sld [smem:$0x3FFE];
	[sflag:s23] =	ssyncadd.s32 $0xFFFFFFFF  }
0xa6: {  	s26 =	simm.s32 $execute0_lowered;
	[smem:$0x3FD2] =	sst s25  }
0xa7: {  	s6 =	sshll.u32 s26, $0x1;
	_ =	strace $0x80000046;
	[dreg:$0x1] =	wrdreg $0xFFFFFFFF  }
0xa8: {  	s28 =	simm.s32 $_size_execute0_lowered;
	s4 =	sadd.s32 s4, s6;
	[dreg:$0x0] =	wrdreg $0x0  }
0xa9: {  	s6 =	sshll.u32 s28, $0x1;
	[dreg:$0x2] =	wrdreg s4  }
0xaa: {  	[dreg:$0x3] =	wrdreg s6  }
0xab: {  	[dreg:$0x4] =	wrdreg $0xC0  }
0xac: {  	_ =	task [dreg:s8], $0x5FFFF  }
0xad: {  	[dreg:$0x1] =	wrdreg $0xFFFFFFFF  }
0xae: {  	[dreg:$0x0] =	wrdreg $0x60  }
0xaf: {  	[dreg:$0x2] =	wrdreg s2  }
0xb0: {  	[dreg:$0x3] =	wrdreg s18  }
0xb1: {  	[dreg:$0x4] =	wrdreg s24  }
0xb2: {  	[dreg:$0x5] =	wrdreg $0x162800  }
0xb3: {  	[dreg:$0x6] =	wrdreg $0x172800  }
0xb4: {  	[dreg:$0x7] =	wrdreg $0x9  }
0xb5: {  	_ =	task.clear_ibuf [dreg:s8], $0x8FFFF;
	_ =	strace $0x90000046  }
0xb6: {  	s29 =	simm.s32 $0x9;
	_ =	strace $0x80000048  }
0xb7: {  	_ =	swait.ge [sflag:s29], $0x1  }
0xb8: {  	[sflag:s29] =	ssyncadd.s32 $0xFFFFFFFF  }
0xb9: {  	_ =	strace $0x90000048  }
0xba: {  	_ =	sfence  }
0xbb: {  	s30 =	sld [smem:$0x0];
	_ =	sdelay $0x2  }
0xbc: {  	s31 =	sshll.u32 s1, $0xD;
	s1 =	sshrl.u32 s1, $0x2  }
0xbd: {  	s3 =	sand.u32 $0x4000, s31;
	s1 =	sadd.s32 s1, s30  }
0xbe: {  	s0 =	sor.u32 s3, s0;
	s1 =	sshll.u32 s1, $0x11  }
0xbf: {  	s0 =	sor.u32 s1, s0  }
0xc0: {  	s0 =	sadd.s32 $0x8F2B, s0  }
0xc1: {  	[sflag:s0] =	ssyncadd.remote.s32 $0x1  }
0xc2: {  	_ =	sfence.sel $0xFFFF  }
0xc3: {  	[dreg:$0x0] =	wrdreg $0xFFFFFFFF;
	(pc) =	sbr.abs _section_cstart, $3  }
0xc4: {  	[dreg:$0x1] =	wrdreg $0xFFFFFFFF  }
0xc5: {  	_ =	task.clear_ibuf [dreg:s8], $0x2FFFF;
	_ =	strace $0x9FFFFFFF  }
0xc6: {  	(tm) =	ssettm $0x7FFFFFFF  }
0xc7: {  	_ =	shalt  }
tec
execute0_lowered:
.L_overlay_start_1:
0x0: {  	(tag) =	ssettag $0x1  }
0x1: {  	s0 =	rddreg [dreg:$0x0]  }
0x2: {  	s1 =	rddreg [dreg:$0x1]  }
0x3: {  	s5 =	rddreg [dreg:$0x2]  }
0x4: {  	s2 =	rddreg [dreg:$0x3]  }
0x5: {  	s3 =	rddreg [dreg:$0x4];
	s4 =	simm.s32 $0x0  }
0x6: {  	s6 =	srdreg.scid;
	s14 =	stileid.u32;
	s29 =	simm.s32 $0x10000  }
0x7: {  	s30 =	simm.s32 $0x10080;
	[smem:$0x7FF] =	sst s4;
	s7 =	sadd.s32 $0x2400, s5  }
0x8: {  	s6 =	sand.u32 $0x1, s6;
	s18 =	sadd.s32 $0x1C00, s5;
	s19 =	sshll.u32 s14, $0xC  }
0x9: {  	s26 =	sshll.u32 s14, $0x7;
	_ =	strace $0x80000047;
	[dreg:$0x6] =	wrdreg s7  }
0xa: {  	[dreg:$0x7] =	wrdreg s18;
	s8 =	sshll.u32 s6, $0x10;
	s9 =	ssub.s32 $0x2, s6  }
0xb: {  	s10 =	sshll.u32 s6, $0x4;
	s28 =	sor.u32 $0x18000, s26;
	s15 =	sadd.s32 s19, s2  }
0xc: {  	s8 =	sor.u32 s19, s8;
	s11 =	sshrl.u32 s9, $0x1;
	s10 =	sor.u32 s14, s10  }
0xd: {  	s31 =	sshrl.u32 s28, $0x3;
	s14 =	sshll.u32 s14, $0xB;
	[dreg:$0xe] =	wrdreg s15  }
0xe: {  	s8 =	sshrl.u32 s8, $0x3;
	s20 =	sshll.u32 s10, $0x7;
	s21 =	sshll.u32 s10, $0x4  }
0xf: {  	s12 =	sshll.u32 s10, $0xB;
	s16 =	sadd.s32 s1, s31;
	p0 =	sgt.u32 s10, $0xC  }
0x10: {  	s31 =	sadd.s32 $0x30D0, s1;
	s5 =	sadd.s32 s8, s5;
	s8 =	ssub.s32 s9, s11  }
0x11: {  	s13 =	sor.u32 $0x1000, s20;
	s11 =	sadd.s32 s1, s21;
	s22 =	sadd.s32 s0, s12  }
0x12: {  	s9 =	sor.u32 $0x2000, s20;
	s21 =	sshll.u32 s6, $0xB;
	[dreg:$0x18] =	wrdreg s31  }
0x13: {  	p1 =	sne.s32 @p0 s10, $0x1F;
	s10 =	simm.s32 $0x80;
	[dreg:$0x8] =	wrdreg s11  }
0x14: {  	s12 =	simm.s32 $0xC000;
	[dreg:$0x9] =	wrdreg s22;
	s23 =	sshrl.u32 s13, $0x3  }
0x15: {  	s24 =	sshll.u32 s13, $0x4;
	s25 =	sshrl.u32 s9, $0x3;
	s9 =	sshll.u32 s9, $0x4  }
0x16: {  	s13 =	sshll.u32 s28, $0x4;
	s18 =	sadd.s32 $0x2600, s5;
	s20 =	sadd.s32 $0x6600, s5  }
0x17: {  	s22 =	smax.u32 s8, $0x1;
	p1 =	por p1, !p0;
	[dreg:$0x11] =	wrdreg s18  }
0x18: {  	s8 =	simm.s32 $0x11280;
	s11 =	sadd.s32 s1, s23;
	[dreg:$0x12] =	wrdreg s20  }
0x19: {  	s9 =	sadd.s32 s0, s9;
	s17 =	sadd.s32 s0, s13;
	[dreg:$0x13] =	wrdreg s22  }
0x1a: {  	s13 =	simm.s32 $0x2;
	s18 =	simm.s32 $0x5;
	[dreg:$0xa] =	wrdreg s11  }
0x1b: {  	s20 =	simm.s32 $0x3;
	s11 =	sadd.s32 s0, s24;
	[dreg:$0xd] =	wrdreg s9  }
0x1c: {  	s22 =	simm.s32 $0x4;
	s24 =	sadd.s32 s19, s3;
	[dreg:$0xb] =	wrdreg s11  }
0x1d: {  	s9 =	sshll.u32 s6, $0xF;
	s11 =	sadd.s32 s1, s25;
	[dreg:$0xf] =	wrdreg s24  }
0x1e: {  	s7 =	sadd.s32 s9, s0;
	s0 =	sadd.s32 $0x186800, s0;
	[dreg:$0xc] =	wrdreg s11  }
0x1f: {  	s6 =	simm.s32 $0x0;
	s9 =	simm.s32 $0x1;
	[dreg:$0x10] =	wrdreg s0  }
0x20: {  	s19 =	sadd.s32 s14, s7;
	s0 =	sor.u32 s26, s21;
	s7 =	simm.s32 $0x15280  }
0x21: {  	s14 =	simm.s32 $0x9;
	s11 =	simm.s32 $0x10180;
	s21 =	simm.s32 $0x6  }
0x22: {  	s23 =	sor.u32 $0x4000, s0;
	s25 =	sor.u32 $0x3000, s0;
	s26 =	sor.u32 $0x6000, s0  }
.Ltmp0:
0x23: {  	s0 =	sor.u32 $0x5000, s0;
	s5 =	sshrl.u32 s25, $0x3;
	(pc) =	sbr.rel .LBB2_1-.Ltmp0, $4  }
0x24: {  	[dreg:$0x14] =	wrdreg s23;
	s0 =	sshrl.u32 s0, $0x3;
	s5 =	sadd.s32 s5, s1  }
0x25: {  	s28 =	sshrl.u32 s26, $0x3;
	s0 =	sadd.s32 s0, s1;
	[dreg:$0x15] =	wrdreg s5  }
0x26: {  	s23 =	simm.s32 $0x7;
	s5 =	sadd.s32 s28, s1;
	[dreg:$0x17] =	wrdreg s0  }
0x27: {  	s0 =	simm.s32 $0x10100;
	[dreg:$0x16] =	wrdreg s5;
	s5 =	simm.s32 $0x8000  }
.LBB2_4:
0x28: {  	s1 =	simm.s32 @!p1 $0x0;
	s6 =	simm.s32 @!p1 $0x11200;
	s7 =	rddreg [dreg:$0x18]  }
0x29: {  	[tilespmem:s6], [sflag:$0x9] =	stream.linear.gather @!p1 [hbm4b:s7+s1], $0x20, $0x38;
	[tilespmem:$0x18280] =	vst v63  }
0x2a: {  	s7 =	simm.s32 @!p1 $0x9  }
0x2b: {  	_ =	swait.ge @!p1 [sflag:s7], $0x20  }
0x2c: {  	[sflag:s7] =	ssyncset.done @!p1 $0x0  }
0x2d: {  	s14 =	simm.s32 @!p1 $0x10200;
	s15 =	rddreg [dreg:$0x10];
	[sflag:s7] =	ssyncadd.s32 @!p1 $0xFFFFFFE0  }
0x2e: {  	[tilespmem:s14], [sflag:$0x9] =	stream.linear.gather @!p1 [hbm4b:s15+s1], $0x1000, $0x38;
	[tilespmem:$0x18280] =	vst v63  }
0x2f: {  	_ =	swait.ge @!p1 [sflag:s7], $0x1000  }
0x30: {  	[sflag:s7] =	ssyncset.done @!p1 $0x0  }
0x31: {  	s1 =	simm.s32 @!p1 $0x20;
	[sflag:s7] =	ssyncadd.s32 @!p1 $0xFFFFF000  }
0x32: {  	[spmem:s2] =	stream.indirect.scatter.add.f32 @!p1 [tilespmem:s14], [sflag:$0x9], $0x80, s6, s1, $0xb8;
	[tilespmem:$0x18280] =	vst v63  }
0x33: {  	_ =	swait.ge @!p1 [sflag:s7], $0x1000  }
0x34: {  	[sflag:s7] =	ssyncset.done @!p1 $0x0  }
0x35: {  	s14 =	simm.s32 @!p1 $0x11280;
	[sflag:s7] =	ssyncadd.s32 @!p1 $0xFFFFF000  }
0x36: {  	[spmem:s3] =	stream.indirect.scatter.add.f32 @!p1 [tilespmem:s14], [sflag:$0x9], $0x80, s6, s1, $0xb8;
	[tilespmem:$0x18280] =	vst v63  }
0x37: {  	_ =	swait.ge @!p1 [sflag:s7], $0x1000  }
0x38: {  	[sflag:s7] =	ssyncset.done @!p1 $0x0  }
0x39: {  	s1 =	simm.s32 @!p0 $0x1;
	[sflag:s7] =	ssyncadd.s32 @!p1 $0xFFFFF000  }
0x3a: {  	_ =	swait.ge @!p0 [sflag:s1], $0x80  }
0x3b: {  	[sflag:s1] =	ssyncset.done @!p0 $0x0  }
0x3c: {  	[sflag:s1] =	ssyncadd.s32 @!p0 $0xFFFFFF80  }
0x3d: {  	_ =	swait.ge @!p0 [sflag:s1], $0x4000  }
0x3e: {  	s6 =	simm.s32 @!p0 $0x10000;
	[sflag:s1] =	ssyncset.done @!p0 $0x0  }
0x3f: {  	s7 =	simm.s32 @!p0 $0x0;
	[sflag:s1] =	ssyncadd.s32 @!p0 $0xFFFFC000;
	s1 =	simm.s32 @!p0 $0x80  }
0x40: {  	[spmem:s2] =	stream.indirect.scatter.add.f32 @!p0 [tilespmem:s7], [sflag:$0x5], $0x80, s6, s1, $0xb8;
	[tilespmem:$0x18280] =	vst v63  }
0x41: {  	s24 =	simm.s32 $0x8;
	s7 =	simm.s32 @!p0 $0x11280  }
0x42: {  	[spmem:s3] =	stream.indirect.scatter.add.f32 @!p0 [tilespmem:s7], [sflag:$0x5], $0x80, s6, s1, $0xb8;
	[tilespmem:$0x18280] =	vst v63  }
0x43: {  	_ =	swait.ge [sflag:s24], $0x4000  }
0x44: {  	[sflag:s24] =	ssyncset.done $0x0  }
0x45: {  	[sflag:s24] =	ssyncadd.s32 $0xFFFFC000  }
0x46: {  	_ =	swait.ge [sflag:s24], $0x4000  }
0x47: {  	[sflag:s24] =	ssyncset.done $0x0  }
0x48: {  	s1 =	simm.s32 @!p0 $0x5;
	[sflag:s24] =	ssyncadd.s32 $0xFFFFC000  }
0x49: {  	_ =	swait.ge @!p0 [sflag:s1], $0x4000  }
0x4a: {  	[sflag:s1] =	ssyncset.done @!p0 $0x0  }
0x4b: {  	[sflag:s1] =	ssyncadd.s32 @!p0 $0xFFFFC000  }
0x4c: {  	_ =	swait.ge @!p0 [sflag:s1], $0x4000  }
0x4d: {  	[sflag:s1] =	ssyncset.done @!p0 $0x0  }
0x4e: {  	[sflag:s1] =	ssyncadd.s32 @!p0 $0xFFFFC000  }
0x4f: {  	[bflag:$0x0] =	sbarrier.arrive $0xFFFF  }
0x50: {  	s14 =	simm.s32 $0x9;
	s7 =	simm.s32 $0x15280;
	s15 =	rddreg [dreg:$0xe]  }
0x51: {  	[tilespmem:s7], [sflag:$0x9] =	stream.linear.gather [spmem:s15], $0x1000, $0x38;
	[tilespmem:$0x18280] =	vst v63  }
0x52: {  	_ =	swait.ge [sflag:s14], $0x1000  }
0x53: {  	[sflag:s14] =	ssyncset.done $0x0  }
0x54: {  	s25 =	rddreg [dreg:$0x11];
	[sflag:s14] =	ssyncadd.s32 $0xFFFFF000  }
0x55: {  	[hbm4b:s25+s4] =	stream.linear.scatter [tilespmem:s7], [sflag:$0x9], $0x1000, $0x38;
	[tilespmem:$0x18280] =	vst v63  }
0x56: {  	_ =	swait.ge [sflag:s14], $0x1000  }
0x57: {  	[sflag:s14] =	ssyncset.done $0x0  }
0x58: {  	s24 =	rddreg [dreg:$0xf];
	[sflag:s14] =	ssyncadd.s32 $0xFFFFF000  }
0x59: {  	[tilespmem:s7], [sflag:$0x9] =	stream.linear.gather [spmem:s24], $0x1000, $0x38;
	[tilespmem:$0x18280] =	vst v63  }
0x5a: {  	_ =	swait.ge [sflag:s14], $0x1000  }
0x5b: {  	[sflag:s14] =	ssyncset.done $0x0  }
0x5c: {  	s26 =	rddreg [dreg:$0x12];
	[sflag:s14] =	ssyncadd.s32 $0xFFFFF000  }
0x5d: {  	[hbm4b:s26+s4] =	stream.linear.scatter [tilespmem:s7], [sflag:$0x9], $0x1000, $0x38;
	[tilespmem:$0x18280] =	vst v63  }
0x5e: {  	_ =	swait.ge [sflag:s14], $0x1000  }
0x5f: {  	s28 =	rddreg [dreg:$0x19]  }
0x60: {  	s31 =	rddreg [dreg:$0x13];
	s6 =	sadd.s32 $0x1, s28  }
0x61: {  	p2 =	sne.s32 s6, s31  }
.Ltmp1:
0x62: {  	_ = 	snop;
	(pc) =	sbr.rel @!p2 .LBB2_5-.Ltmp1, $3  }
0x63: {  	_ =	sdelay $0x1  }
0x64: {  	[sflag:s14] =	ssyncset.done $0x0  }
0x65: {  	[sflag:s14] =	ssyncadd.s32 $0xFFFFF000  }
.LBB2_1:
0x66: {  	[dreg:$0x19] =	wrdreg s6  }
0x67: {  	s1 =	rddreg [dreg:$0x8]  }
0x68: {  	[tilespmem:s29], [sflag:$0x1] =	stream.linear.gather [hbm4b:s1+s4], $0x80, $0x38;
	[tilespmem:$0x18280] =	vst v63  }
0x69: {  	s6 =	rddreg [dreg:$0x9]  }
0x6a: {  	[tilespmem:s4], [sflag:$0x1] =	stream.linear.gather [hbm4b:s6+s4], $0x4000, $0x38;
	[tilespmem:$0x18280] =	vst v63  }
0x6b: {  	s25 =	rddreg [dreg:$0xa]  }
0x6c: {  	[tilespmem:s30], [sflag:$0x2] =	stream.linear.gather [hbm4b:s25+s4], $0x80, $0x38;
	[tilespmem:$0x18280] =	vst v63  }
0x6d: {  	s26 =	rddreg [dreg:$0xb];
	s31 =	simm.s32 $0x4000  }
0x6e: {  	[tilespmem:s31], [sflag:$0x2] =	stream.linear.gather [hbm4b:s26+s4], $0x4000, $0x38;
	[tilespmem:$0x18280] =	vst v63  }
0x6f: {  	s6 =	rddreg [dreg:$0xc]  }
0x70: {  	[tilespmem:s0], [sflag:$0x3] =	stream.linear.gather [hbm4b:s6+s4], $0x80, $0x38;
	[tilespmem:$0x18280] =	vst v63  }
0x71: {  	s25 =	rddreg [dreg:$0xd]  }
0x72: {  	[tilespmem:s5], [sflag:$0x3] =	stream.linear.gather [hbm4b:s25+s4], $0x4000, $0x38;
	[tilespmem:$0x18280] =	vst v63  }
0x73: {  	s26 =	rddreg [dreg:$0x6]  }
0x74: {  	[tilespmem:s7], [sflag:$0x9] =	stream.linear.gather [hbm4b:s26+s4], $0x1000, $0x38;
	[tilespmem:$0x18280] =	vst v63  }
0x75: {  	_ =	swait.ge [sflag:s14], $0x1000  }
0x76: {  	[sflag:s14] =	ssyncset.done $0x0  }
0x77: {  	s31 =	rddreg [dreg:$0x7];
	[sflag:s14] =	ssyncadd.s32 $0xFFFFF000  }
0x78: {  	[tilespmem:s8], [sflag:$0x9] =	stream.linear.gather [hbm4b:s31+s4], $0x4000, $0x38;
	[tilespmem:$0x18280] =	vst v63  }
0x79: {  	_ =	swait.ge [sflag:s14], $0x4000  }
0x7a: {  	[sflag:s14] =	ssyncset.done $0x0  }
0x7b: {  	[sflag:s14] =	ssyncadd.s32 $0xFFFFC000  }
0x7c: {  	[spmem:s15] =	stream.linear.scatter [tilespmem:s7], [sflag:$0x9], $0x1000, $0x38;
	[tilespmem:$0x18280] =	vst v63  }
0x7d: {  	_ =	swait.ge [sflag:s14], $0x1000  }
0x7e: {  	[sflag:s14] =	ssyncset.done $0x0  }
0x7f: {  	[sflag:s14] =	ssyncadd.s32 $0xFFFFF000  }
0x80: {  	[spmem:s24] =	stream.linear.scatter [tilespmem:s7], [sflag:$0x9], $0x1000, $0x38;
	[tilespmem:$0x18280] =	vst v63  }
0x81: {  	_ =	swait.ge [sflag:s14], $0x1000  }
0x82: {  	[sflag:s14] =	ssyncset.done $0x0  }
0x83: {  	[sflag:s14] =	ssyncadd.s32 $0xFFFFF000  }
0x84: {  	[bflag:$0x0] =	sbarrier.arrive $0xFFFF  }
0x85: {  	s26 =	rddreg [dreg:$0x17]  }
0x86: {  	s28 =	rddreg [dreg:$0x16]  }
0x87: {  	s14 =	rddreg [dreg:$0x15]  }
0x88: {  	s24 =	simm.s32 $0x0;
	s15 =	rddreg [dreg:$0x14]  }
.LBB2_2:
0x89: {  	_ =	swait.ge [sflag:s9], $0x80  }
0x8a: {  	[sflag:s9] =	ssyncset.done $0x0  }
0x8b: {  	[sflag:s9] =	ssyncadd.s32 $0xFFFFFF80  }
0x8c: {  	_ =	swait.ge [sflag:s9], $0x4000  }
0x8d: {  	[sflag:s9] =	ssyncset.done $0x0  }
0x8e: {  	p2 =	seq.s32 s24, $0x0;
	[sflag:s9] =	ssyncadd.s32 $0xFFFFC000  }
0x8f: {  	[spmem:s2] =	stream.indirect.scatter.add.f32 [tilespmem:s4], [sflag:$0x5], $0x80, s29, s10, $0xb8;
	[tilespmem:$0x18280] =	vst v63  }
0x90: {  	s6 =	simm.s32 @!p2 $0x8  }
0x91: {  	[spmem:s3] =	stream.indirect.scatter.add.f32 [tilespmem:s8], [sflag:$0x5], $0x80, s29, s10, $0xb8;
	[tilespmem:$0x18280] =	vst v63  }
0x92: {  	_ =	swait.ge @!p2 [sflag:s6], $0x4000  }
0x93: {  	[sflag:s6] =	ssyncset.done @!p2 $0x0  }
0x94: {  	[sflag:s6] =	ssyncadd.s32 @!p2 $0xFFFFC000  }
0x95: {  	_ =	swait.ge @!p2 [sflag:s6], $0x4000  }
0x96: {  	[sflag:s6] =	ssyncset.done @!p2 $0x0  }
0x97: {  	[sflag:s6] =	ssyncadd.s32 @!p2 $0xFFFFC000;
	s6 =	sadd.s32 s24, s19  }
0x98: {  	[tilespmem:s11], [sflag:$0x4] =	stream.linear.gather [hbm4b:s14+s4], $0x80, $0x38;
	[tilespmem:$0x18280] =	vst v63  }
0x99: {  	s25 =	sadd.s32 $0x30000, s6  }
0x9a: {  	[tilespmem:s12], [sflag:$0x4] =	stream.linear.gather [hbm4b:s25+s4], $0x4000, $0x38;
	[tilespmem:$0x18280] =	vst v63  }
0x9b: {  	_ =	swait.ge [sflag:s13], $0x80  }
0x9c: {  	[sflag:s13] =	ssyncset.done $0x0  }
0x9d: {  	[sflag:s13] =	ssyncadd.s32 $0xFFFFFF80  }
0x9e: {  	_ =	swait.ge [sflag:s13], $0x4000  }
0x9f: {  	[sflag:s13] =	ssyncset.done $0x0  }
0xa0: {  	s1 =	simm.s32 $0x4000;
	[sflag:s13] =	ssyncadd.s32 $0xFFFFC000  }
0xa1: {  	[spmem:s2] =	stream.indirect.scatter.add.f32 [tilespmem:s1], [sflag:$0x6], $0x80, s30, s10, $0xb8;
	[tilespmem:$0x18280] =	vst v63  }
0xa2: {  	_ = 	snop  }
0xa3: {  	[spmem:s3] =	stream.indirect.scatter.add.f32 [tilespmem:s8], [sflag:$0x6], $0x80, s30, s10, $0xb8;
	[tilespmem:$0x18280] =	vst v63  }
0xa4: {  	_ =	swait.ge [sflag:s18], $0x4000  }
0xa5: {  	[sflag:s18] =	ssyncset.done $0x0  }
0xa6: {  	[sflag:s18] =	ssyncadd.s32 $0xFFFFC000  }
0xa7: {  	_ =	swait.ge [sflag:s18], $0x4000  }
0xa8: {  	[sflag:s18] =	ssyncset.done $0x0  }
0xa9: {  	p2 =	seq.s32 s24, $0x140000;
	[sflag:s18] =	ssyncadd.s32 $0xFFFFC000  }
0xaa: {  	s25 =	sshrl.u32 @!p2 s15, $0x3;
	s1 =	rddreg [dreg:$0x1]  }
0xab: {  	s7 =	simm.s32 @!p2 $0x0;
	s25 =	sadd.s32 @!p2 s1, s25;
	s1 =	simm.s32 @!p2 $0x10000  }
0xac: {  	[tilespmem:s1], [sflag:$0x1] =	stream.linear.gather @!p2 [hbm4b:s25+s7], $0x80, $0x38;
	[tilespmem:$0x18280] =	vst v63  }
0xad: {  	p3 =	sne.s32 @!p0 s24, $0x140000;
	s1 =	sadd.s32 @!p2 s24, s19  }
0xae: {  	p3 =	por p3, p0;
	s25 =	sadd.s32 @!p2 $0x40000, s1  }
0xaf: {  	[tilespmem:s7], [sflag:$0x1] =	stream.linear.gather @!p2 [hbm4b:s25+s7], $0x4000, $0x38;
	[tilespmem:$0x18280] =	vst v63  }
0xb0: {  	s31 =	simm.s32 @!p3 $0x10000;
	s25 =	simm.s32 @!p3 $0x0  }
0xb1: {  	[tilespmem:s31], [sflag:$0x1] =	stream.linear.gather @!p3 [hbm4b:s16+s25], $0x80, $0x38;
	[tilespmem:$0x18280] =	vst v63  }
0xb2: {  	_ = 	snop  }
0xb3: {  	[tilespmem:s25], [sflag:$0x1] =	stream.linear.gather @!p3 [hbm4b:s17+s25], $0x4000, $0x38;
	[tilespmem:$0x18280] =	vst v63  }
0xb4: {  	_ =	swait.ge [sflag:s20], $0x80  }
0xb5: {  	[sflag:s20] =	ssyncset.done $0x0  }
0xb6: {  	[sflag:s20] =	ssyncadd.s32 $0xFFFFFF80  }
0xb7: {  	_ =	swait.ge [sflag:s20], $0x4000  }
0xb8: {  	[sflag:s20] =	ssyncset.done $0x0  }
0xb9: {  	[sflag:s20] =	ssyncadd.s32 $0xFFFFC000  }
0xba: {  	[spmem:s2] =	stream.indirect.scatter.add.f32 [tilespmem:s5], [sflag:$0x7], $0x80, s0, s10, $0xb8;
	[tilespmem:$0x18280] =	vst v63  }
0xbb: {  	_ = 	snop  }
0xbc: {  	[spmem:s3] =	stream.indirect.scatter.add.f32 [tilespmem:s8], [sflag:$0x7], $0x80, s0, s10, $0xb8;
	[tilespmem:$0x18280] =	vst v63  }
0xbd: {  	_ =	swait.ge [sflag:s21], $0x4000  }
0xbe: {  	[sflag:s21] =	ssyncset.done $0x0  }
0xbf: {  	[sflag:s21] =	ssyncadd.s32 $0xFFFFC000  }
0xc0: {  	_ =	swait.ge [sflag:s21], $0x4000  }
0xc1: {  	[sflag:s21] =	ssyncset.done $0x0  }
0xc2: {  	s25 =	simm.s32 @!p2 $0x10080;
	[sflag:s21] =	ssyncadd.s32 $0xFFFFC000  }
0xc3: {  	[tilespmem:s25], [sflag:$0x2] =	stream.linear.gather @!p2 [hbm4b:s26+s7], $0x80, $0x38;
	[tilespmem:$0x18280] =	vst v63  }
0xc4: {  	s1 =	sadd.s32 @!p2 $0x50000, s1;
	s25 =	simm.s32 @!p2 $0x4000  }
0xc5: {  	[tilespmem:s25], [sflag:$0x2] =	stream.linear.gather @!p2 [hbm4b:s1+s7], $0x4000, $0x38;
	[tilespmem:$0x18280] =	vst v63  }
0xc6: {  	_ =	swait.ge [sflag:s22], $0x80  }
0xc7: {  	[sflag:s22] =	ssyncset.done $0x0  }
0xc8: {  	[sflag:s22] =	ssyncadd.s32 $0xFFFFFF80  }
0xc9: {  	_ =	swait.ge [sflag:s22], $0x4000  }
0xca: {  	[sflag:s22] =	ssyncset.done $0x0  }
0xcb: {  	[sflag:s22] =	ssyncadd.s32 $0xFFFFC000  }
0xcc: {  	[spmem:s2] =	stream.indirect.scatter.add.f32 [tilespmem:s12], [sflag:$0x8], $0x80, s11, s10, $0xb8;
	[tilespmem:$0x18280] =	vst v63  }
0xcd: {  	_ = 	snop  }
0xce: {  	[spmem:s3] =	stream.indirect.scatter.add.f32 [tilespmem:s8], [sflag:$0x8], $0x80, s11, s10, $0xb8;
	[tilespmem:$0x18280] =	vst v63  }
0xcf: {  	_ =	swait.ge [sflag:s23], $0x4000  }
.Ltmp2:
0xd0: {  	[sflag:s23] =	ssyncset.done $0x0;
	(pc) =	sbr.rel @p2 .LBB2_4-.Ltmp2, $4  }
0xd1: {  	[sflag:s23] =	ssyncadd.s32 $0xFFFFC000  }
0xd2: {  	_ =	swait.ge [sflag:s23], $0x4000  }
0xd3: {  	[sflag:s23] =	ssyncset.done $0x0  }
0xd4: {  	[sflag:s23] =	ssyncadd.s32 $0xFFFFC000  }
.Ltmp3:
0xd5: {  	(pc) =	sbr.rel .LBB2_2-.Ltmp3, $4  }
0xd6: {  	[tilespmem:s0], [sflag:$0x3] =	stream.linear.gather [hbm4b:s28+s4], $0x80, $0x38;
	[tilespmem:$0x18280] =	vst v63  }
0xd7: {  	s1 =	sadd.s32 $0x60000, s6;
	s24 =	sadd.s32 $0x40000, s24;
	s15 =	sadd.s32 $0x4000, s15  }
0xd8: {  	s14 =	sadd.s32 $0x800, s14;
	s28 =	sadd.s32 $0x800, s28;
	s26 =	sadd.s32 $0x800, s26  }
0xd9: {  	[tilespmem:s5], [sflag:$0x3] =	stream.linear.gather [hbm4b:s1+s4], $0x4000, $0x38;
	[tilespmem:$0x18280] =	vst v63  }
.LBB2_5:
0xda: {  	_ =	sfence.sel $0x180000  }
0xdb: {  	[bflag:$0x0] =	sbarrier.arrive $0xFFFF  }
0xdc: {  	_ =	strace $0x90000047  }
0xdd: {  	s0 =	stileid.u32;
	[bflag:$0x2] =	sbarrier.arrive $0xFFFF  }
0xde: {  	p0 =	sne.s32 s0, $0x0;
	s0 =	rddreg [dreg:$0x5]  }
0xdf: {  	s0 =	sadd.s32 @!p0 $0x100000, s0  }
0xe0: {  	[sflag:s0] =	ssyncadd.tile.s32 @!p0 $0x1;
	_ =	shalt  }
.Lfunc_end2:
_tile_overlayer_lowered:
.L_overlay_start_2:
0xe1: {  	(tag) =	ssettag $0x2  }
0xe2: {  	s0 =	rddreg [dreg:$0x0];
	s2 =	stileid.u32  }
0xe3: {  	s1 =	rddreg [dreg:$0x1];
	p0 =	sne.s32 s2, $0x0  }
0xe4: {  	s3 =	rddreg [dreg:$0x2];
	[bflag:$0x3] =	sbarrier.arrive $0xFFFF;
	s2 =	simm.s32 @!p0 $0x1C09  }
0xe5: {  	[timem:s3], [sflag:s2] =	dma.local @!p0 [hbm:s0], s1  }
0xe6: {  	s0 =	simm.s32 @!p0 $0x9  }
0xe7: {  	_ =	swait.ge @!p0 [sflag:s0], s1  }
0xe8: {  	s1 =	ssub.s32 @!p0 $0x0, s1;
	[sflag:s0] =	ssyncset.done @!p0 $0x0  }
0xe9: {  	[sflag:s0] =	ssyncadd.s32 @!p0 s1  }
0xea: {  	[bflag:$0x3] =	sbarrier.arrive $0xFFFF  }
0xeb: {  	_ =	shalt  }

</sc_bundles>
